<compile_context>
chip_gen: v7x
topology: tpu7x:2x2x1
jax: 0.10.2.dev20260603
libtpu: 0.0.44.dev20260713+nightly
codegen_flags: <defaults>
</compile_context>

<pallas_src>
import functools

import jax
import jax.numpy as jnp
from jax import lax
from jax.experimental import pallas as pl
from jax.experimental.pallas import tpu as pltpu
from jax.experimental.pallas import tpu_sc as plsc

_N = 500
_T = 2
_HD = 256
_EX = 128
_E = 16000
_NP = 512
_P = _NP * _NP
_NSETS = 4
_NC = 2
_NS = 16
_EPW = _E // _NS
_EPW_PAD = 1024
_CHUNK = _P // _NS


def _densify_sc(flat_idx, flat_w, zeros_chunk):
    mesh = plsc.VectorSubcoreMesh(
        core_axis_name="c", subcore_axis_name="s", num_cores=_NC,
        num_subcores=_NS)

    @functools.partial(
        pl.kernel,
        out_type=jax.ShapeDtypeStruct((_NSETS, _P), jnp.float32),
        mesh=mesh,
        scratch_types=[
            pltpu.VMEM((2, 8, 128), jnp.int32),
            pltpu.VMEM((2, 8, 128), jnp.float32),
            pltpu.VMEM_SHARED((_P,), jnp.float32),
            pltpu.VMEM_SHARED((_P,), jnp.float32),
            pltpu.SemaphoreType.DMA,
            pltpu.SemaphoreType.DMA,
        ],
    )
    def body(idx_hbm, w_hbm, z_hbm, out_hbm, idx_v, w_v, sh0, sh1, sem,
             out_sem):
        c = lax.axis_index("c")
        s = lax.axis_index("s")
        copies = []
        for j, sh in enumerate((sh0, sh1)):
            set_id = c * 2 + j
            copies.append(pltpu.async_copy(
                z_hbm, sh.at[pl.ds(s * _CHUNK, _CHUNK)], sem))
            copies.append(pltpu.async_copy(
                idx_hbm.at[set_id, s], idx_v.at[j], sem))
            copies.append(pltpu.async_copy(
                w_hbm.at[set_id, s], w_v.at[j], sem))
        for cp in copies:
            cp.wait()
        plsc.subcore_barrier()
        outs = []
        for j, sh in enumerate((sh0, sh1)):
            set_id = c * 2 + j
            for k in range(8):
                pltpu.sync_copy(w_v.at[j, k], sh.at[idx_v.at[j, k]], add=True)
            plsc.subcore_barrier()
            outs.append(pltpu.async_copy(
                sh.at[pl.ds(s * _CHUNK, _CHUNK)],
                out_hbm.at[set_id, pl.ds(s * _CHUNK, _CHUNK)], out_sem))
        for cp in outs:
            cp.wait()

    return body(flat_idx, flat_w, zeros_chunk)


def _softplus(x):
    return jnp.log1p(jnp.exp(-jnp.abs(x))) + jnp.maximum(x, 0.0)


def _prelu(x, a):
    return jnp.where(x >= 0, x, a * x)


_PREP_W = [
    "phi_x_W", "phi_x_b", "phi_d_W", "phi_d_b", "phi_e_x_W", "phi_e_x_b",
    "enc_W", "enc_b", "enc_mean_W", "enc_mean_b", "enc_std_W", "enc_std_b",
    "sup_enc_W", "sup_enc_b", "sup_enc_mean_W", "sup_enc_mean_b",
    "sup_enc_std_W", "sup_enc_std_b",
    "zin1_W", "zin1_b", "zin2_W", "zin2_b", "zout1_W", "zout1_b",
    "zout2_W", "zout2_b", "dec1_W", "dec1_b",
    "rnn_xz_W", "rnn_xz_b", "rnn_xr_W", "rnn_xr_b", "rnn_xh_W", "rnn_xh_b",
    "rnn_hz_W", "rnn_hz_b", "rnn_hr_W", "rnn_hr_b", "rnn_hh_W", "rnn_hh_b",
    "zin_a1", "zin_a2", "zout_a1", "zout_a2",
    "dec2_W", "dec2_b", "dec_a1",
]


def _prep_body(*refs):
    dense_ref, x_ref, epsx_ref, epsd_ref = refs[:4]
    rest = refs[4:]
    w = dict(zip(_PREP_W, rest[:len(_PREP_W)]))
    a_ref, b_ref, c_ref, d_ref, w2p_ref = rest[len(_PREP_W):]

    def mm(a, b):
        return jnp.dot(a, b, preferred_element_type=jnp.float32)

    rows = lax.broadcasted_iota(jnp.int32, (_NP, _NP), 0)
    cols = lax.broadcasted_iota(jnp.int32, (_NP, _NP), 1)
    diag = (rows == cols).astype(jnp.float32)

    def norm_adj(S):
        deg = jnp.sum(S, axis=1) + 1.0
        dinv = lax.rsqrt(deg)
        return (S + diag) * dinv[:, None] * dinv[None, :]

    a1 = w["dec_a1"][0, 0]
    w2p_ref[...] = (1.0 - a1) * w["dec2_W"][...]
    h = jnp.zeros((_NP, _HD), jnp.float32)
    for t in range(_T):
        Ahat = norm_adj(dense_ref[2 * t])
        Ahats = norm_adj(dense_ref[2 * t + 1])
        xt = x_ref[t]
        phi_x = jax.nn.relu(mm(xt, w["phi_x_W"][...]) + w["phi_x_b"][...])
        phi_d = jax.nn.relu(mm(xt, w["phi_d_W"][...]) + w["phi_d_b"][...])
        cat1 = jnp.concatenate([phi_x, h], axis=1)
        enc = jax.nn.relu(mm(Ahat, mm(cat1, w["enc_W"][...])) + w["enc_b"][...])
        g = jnp.concatenate([mm(enc, w["enc_mean_W"][...]),
                             mm(enc, w["enc_std_W"][...])], axis=1)
        ms = mm(Ahat, g)
        enc_mean = ms[:, :_EX] + w["enc_mean_b"][...]
        enc_std = _softplus(ms[:, _EX:] + w["enc_std_b"][...])
        encd = jax.nn.relu(
            mm(Ahats, mm(phi_d, w["sup_enc_W"][...])) + w["sup_enc_b"][...])
        gd = jnp.concatenate([mm(encd, w["sup_enc_mean_W"][...]),
                              mm(encd, w["sup_enc_std_W"][...])], axis=1)
        msd = mm(Ahats, gd)
        encd_mean = msd[:, :_EX] + w["sup_enc_mean_b"][...]
        encd_std = _softplus(msd[:, _EX:] + w["sup_enc_std_b"][...])
        e_x = enc_mean + enc_std * epsx_ref[t]
        e_d = encd_mean + encd_std * epsd_ref[t]
        phi_e_x = jax.nn.relu(
            mm(e_x, w["phi_e_x_W"][...]) + w["phi_e_x_b"][...])
        ed = jnp.concatenate([e_x, e_d], axis=1)
        zi = _prelu(mm(ed, w["zin1_W"][...]) + w["zin1_b"][...],
                    w["zin_a1"][0, 0])
        zi = _prelu(mm(zi, w["zin2_W"][...]) + w["zin2_b"][...],
                    w["zin_a2"][0, 0])
        zo = _prelu(mm(ed, w["zout1_W"][...]) + w["zout1_b"][...],
                    w["zout_a1"][0, 0])
        zo = _prelu(mm(zo, w["zout2_W"][...]) + w["zout2_b"][...],
                    w["zout_a2"][0, 0])
        av = mm(zo, w["dec1_W"][:64]) + w["dec1_b"][...]
        bv = mm(zi, w["dec1_W"][64:])
        a_ref[t] = av
        b_ref[t] = bv
        cval = a1 * mm(av, w["dec2_W"][...]) + w["dec2_b"][...]
        dval = a1 * mm(bv, w["dec2_W"][...])
        c_ref[t] = cval
        d_ref[t] = dval
        inp = jnp.concatenate([phi_x, phi_e_x], axis=1)
        gzr = jnp.concatenate(
            [mm(inp, w["rnn_xz_W"][...]) + mm(h, w["rnn_hz_W"][...]),
             mm(inp, w["rnn_xr_W"][...]) + mm(h, w["rnn_hr_W"][...])], axis=1)
        zr = mm(Ahat, gzr)
        z_g = jax.nn.sigmoid(
            zr[:, :_HD] + w["rnn_xz_b"][...] + w["rnn_hz_b"][...])
        r_g = jax.nn.sigmoid(
            zr[:, _HD:] + w["rnn_xr_b"][...] + w["rnn_hr_b"][...])
        pre_h = (mm(Ahat, mm(inp, w["rnn_xh_W"][...])
                    + mm(r_g * h, w["rnn_hh_W"][...]))
                 + w["rnn_xh_b"][...] + w["rnn_hh_b"][...])
        h = z_g * h + (1.0 - z_g) * jnp.tanh(pre_h)


_BI = 64


def _dec_body(a_ref, b_ref, c_ref, d_ref, w2p_ref,
              w3r_ref, b3_ref, a2_ref, out_ref):
    a = a_ref[0]
    b = b_ref[0]
    a2 = a2_ref[0, 0]
    r = jnp.maximum(a[:, None, :] + b[None, :, :], 0.0).reshape(
        _BI * _NP, _HD)
    m = jnp.dot(r, w2p_ref[...], preferred_element_type=jnp.float32)
    q = m.reshape(_BI, _NP, _HD) + c_ref[0][:, None, :] + d_ref[0][None, :, :]
    h2 = _prelu(q, a2).reshape(_BI * _NP, _HD)
    s = lax.dot_general(w3r_ref[...], h2, (((1,), (1,)), ((), ())),
                        preferred_element_type=jnp.float32)
    pre = s.reshape(_BI, _NP) + b3_ref[0, 0]
    out_ref[0] = jax.nn.sigmoid(pre)


def kernel(x, edge_index, edge_weight, edge_index_sup, edge_weight_sup,
           mask, A_scaler, truths, eps_x, eps_d, h0, params):
    p = params
    f32 = jnp.float32

    def flat(ei, ew):
        src = ei[:, 0, :].astype(jnp.int32)
        dst = ei[:, 1, :].astype(jnp.int32)
        return dst * _NP + src, ew.astype(f32)

    fi_m, fw_m = flat(edge_index, edge_weight)
    fi_s, fw_s = flat(edge_index_sup, edge_weight_sup)
    fi = jnp.stack([fi_m[0], fi_s[0], fi_m[1], fi_s[1]])
    fw = jnp.stack([fw_m[0], fw_s[0], fw_m[1], fw_s[1]])
    pad = _EPW_PAD - _EPW
    fi = jnp.pad(fi.reshape(_NSETS, _NS, _EPW), ((0, 0), (0, 0), (0, pad)))
    fw = jnp.pad(fw.reshape(_NSETS, _NS, _EPW), ((0, 0), (0, 0), (0, pad)))
    fi = fi.reshape(_NSETS, _NS, 8, 128)
    fw = fw.reshape(_NSETS, _NS, 8, 128)
    zeros_chunk = jnp.zeros((_CHUNK,), f32)

    dense = _densify_sc(fi, fw, zeros_chunk).reshape(_NSETS, _NP, _NP)

    padn = _NP - _N
    x_p = jnp.pad(x, ((0, 0), (0, padn), (0, 0)))
    epsx_p = jnp.pad(eps_x, ((0, 0), (0, padn), (0, 0)))
    epsd_p = jnp.pad(eps_d, ((0, 0), (0, padn), (0, 0)))

    wvals = {}
    for n in _PREP_W:
        if n in ("zin_a1", "zin_a2", "zout_a1", "zout_a2", "dec_a1"):
            wvals[n] = p[n].reshape(1, 1)
        elif n.endswith("_b"):
            wvals[n] = p[n].reshape(1, -1)
        else:
            wvals[n] = p[n]
    prep_in = [dense, x_p, epsx_p, epsd_p] + [wvals[n] for n in _PREP_W]

    A, B, C, D, w2p = pl.pallas_call(
        _prep_body,
        out_shape=[
            jax.ShapeDtypeStruct((_T, _NP, _HD), f32),
            jax.ShapeDtypeStruct((_T, _NP, _HD), f32),
            jax.ShapeDtypeStruct((_T, _NP, _HD), f32),
            jax.ShapeDtypeStruct((_T, _NP, _HD), f32),
            jax.ShapeDtypeStruct((_HD, _HD), f32),
        ],
    )(*prep_in)
    out = pl.pallas_call(
        _dec_body,
        grid=(_T, _NP // _BI),
        in_specs=[
            pl.BlockSpec((1, _BI, _HD), lambda t, i: (t, i, 0)),
            pl.BlockSpec((1, _NP, _HD), lambda t, i: (t, 0, 0)),
            pl.BlockSpec((1, _BI, _HD), lambda t, i: (t, i, 0)),
            pl.BlockSpec((1, _NP, _HD), lambda t, i: (t, 0, 0)),
            pl.BlockSpec((_HD, _HD), lambda t, i: (0, 0)),
            pl.BlockSpec((1, _HD), lambda t, i: (0, 0)),
            pl.BlockSpec((1, 1), lambda t, i: (0, 0)),
            pl.BlockSpec((1, 1), lambda t, i: (0, 0)),
        ],
        out_specs=pl.BlockSpec((1, _BI, _NP), lambda t, i: (t, i, 0)),
        out_shape=jax.ShapeDtypeStruct((_T, _NP, _NP), f32),
        compiler_params=pltpu.CompilerParams(
            dimension_semantics=("parallel", "parallel")),
    )(A, B, C, D, w2p, p["dec3_W"].reshape(1, _HD),
      p["dec3_b"].reshape(1, 1), p["dec_a2"].reshape(1, 1))

    return out[:, :_N, :_N]

# --- scband reference (transcript-rebuilt; emitter-appended) ---
"""Pipeline reference for scband-vmr-gae-80333068304419 (READ-ONLY COPY).

The authoritative reference and input builder live on the scoring server;
editing this copy changes nothing except your own understanding.
"""

import jax, jax.numpy as jnp
import numpy as np

N = 500
T = 2
XD = 128
HD = 256
EX = HD // 2
E = 16000

def _prelu(x, a):
    return jnp.where(x >= 0, x, a * x)

def _gcn(x, src, dst, ew, W, b):
    n = x.shape[0]
    loops = jnp.arange(n)
    s = jnp.concatenate([src, loops])
    d = jnp.concatenate([dst, loops])
    w = jnp.concatenate([ew, jnp.ones((n,), x.dtype)])
    deg = jax.ops.segment_sum(w, d, num_segments=n)
    dinv = jnp.where(deg > 0, jax.lax.rsqrt(jnp.maximum(deg, 1e-12)), 0.0)
    norm = dinv[s] * w * dinv[d]
    xw = x @ W
    out = jax.ops.segment_sum(norm[:, None] * xw[s], d, num_segments=n)
    return out + b

def _params(key):
    p = {}
    c = [0]
    def nk():
        c[0] += 1
        return jax.random.fold_in(key, 1000 + c[0])
    def lin(name, i, o):
        p[name + '_W'] = jax.random.normal(nk(), (i, o), jnp.float32) * (1.0 / np.sqrt(i))
        p[name + '_b'] = jnp.zeros((o,), jnp.float32)
    lin('phi_x', XD, HD); lin('phi_d', XD, HD); lin('phi_e_x', EX, HD)
    lin('enc', 2 * HD, HD); lin('enc_mean', HD, EX); lin('enc_std', HD, EX)
    lin('sup_enc', HD, HD); lin('sup_enc_mean', HD, EX); lin('sup_enc_std', HD, EX)
    lin('prior', HD, HD); lin('prior_mean', HD, EX); lin('prior_std', HD, EX)
    for pref in ('zin', 'zout'):
        lin(pref + '1', 2 * EX, 4 * 2 * EX)
        lin(pref + '2', 4 * 2 * EX, 64)
        p[pref + '_a1'] = jnp.float32(0.25)
        p[pref + '_a2'] = jnp.float32(0.25)
    lin('dec1', 128, 256); lin('dec2', 256, 256); lin('dec3', 256, 1)
    p['dec_a1'] = jnp.float32(0.25); p['dec_a2'] = jnp.float32(0.25)
    for g in ('xz', 'hz', 'xr', 'hr', 'xh', 'hh'):
        i = 2 * HD if g in ('xz', 'xr', 'xh') else HD
        lin('rnn_' + g, i, HD)
    return p

def _forward(x, edge_index, edge_weight, edge_index_sup, edge_weight_sup, eps_x, eps_d, h0, p):
    h = h0
    decs = []
    for t in range(T):
        src, dst = edge_index[t][0], edge_index[t][1]
        ssrc, sdst = edge_index_sup[t][0], edge_index_sup[t][1]
        ew = edge_weight[t]
        ews = edge_weight_sup[t]
        phi_x_t = jax.nn.relu(x[t] @ p['phi_x_W'] + p['phi_x_b'])
        phi_d_t = jax.nn.relu(x[t] @ p['phi_d_W'] + p['phi_d_b'])
        enc_t = jax.nn.relu(_gcn(jnp.concatenate([phi_x_t, h[-1]], 1), src, dst, ew, p['enc_W'], p['enc_b']))
        enc_mean_t = _gcn(enc_t, src, dst, ew, p['enc_mean_W'], p['enc_mean_b'])
        enc_std_t = jax.nn.softplus(_gcn(enc_t, src, dst, ew, p['enc_std_W'], p['enc_std_b']))
        enc_d_t = jax.nn.relu(_gcn(phi_d_t, ssrc, sdst, ews, p['sup_enc_W'], p['sup_enc_b']))
        enc_d_mean_t = _gcn(enc_d_t, ssrc, sdst, ews, p['sup_enc_mean_W'], p['sup_enc_mean_b'])
        enc_d_std_t = jax.nn.softplus(_gcn(enc_d_t, ssrc, sdst, ews, p['sup_enc_std_W'], p['sup_enc_std_b']))
        prior_t = jax.nn.relu(h[-1] @ p['prior_W'] + p['prior_b'])
        prior_mean_t = prior_t @ p['prior_mean_W'] + p['prior_mean_b']
        prior_std_t = jax.nn.softplus(prior_t @ p['prior_std_W'] + p['prior_std_b'])
        e_x_t = enc_mean_t + enc_std_t * eps_x[t]
        phi_e_x_t = jax.nn.relu(e_x_t @ p['phi_e_x_W'] + p['phi_e_x_b'])
        e_d_t = enc_d_mean_t + enc_d_std_t * eps_d[t]
        ed = jnp.concatenate([e_x_t, e_d_t], 1)
        zi = _prelu(ed @ p['zin1_W'] + p['zin1_b'], p['zin_a1'])
        zi = _prelu(zi @ p['zin2_W'] + p['zin2_b'], p['zin_a2'])
        zo = _prelu(ed @ p['zout1_W'] + p['zout1_b'], p['zout_a1'])
        zo = _prelu(zo @ p['zout2_W'] + p['zout2_b'], p['zout_a2'])
        z = jnp.concatenate([jnp.broadcast_to(zo[:, None, :], (N, N, 64)), jnp.broadcast_to(zi[None, :, :], (N, N, 64))], 2).reshape(N * N, 128)
        d = _prelu(z @ p['dec1_W'] + p['dec1_b'], p['dec_a1'])
        d = _prelu(d @ p['dec2_W'] + p['dec2_b'], p['dec_a2'])
        d = d @ p['dec3_W'] + p['dec3_b']
        dec_t = jax.nn.sigmoid(d).reshape(N, N)
        decs.append(dec_t)
        inp = jnp.concatenate([phi_x_t, phi_e_x_t], 1)
        hl = h[0]
        z_g = jax.nn.sigmoid(_gcn(inp, src, dst, ew, p['rnn_xz_W'], p['rnn_xz_b']) + _gcn(hl, src, dst, ew, p['rnn_hz_W'], p['rnn_hz_b']))
        r_g = jax.nn.sigmoid(_gcn(inp, src, dst, ew, p['rnn_xr_W'], p['rnn_xr_b']) + _gcn(hl, src, dst, ew, p['rnn_hr_W'], p['rnn_hr_b']))
        h_tilde = jnp.tanh(_gcn(inp, src, dst, ew, p['rnn_xh_W'], p['rnn_xh_b']) + _gcn(r_g * hl, src, dst, ew, p['rnn_hh_W'], p['rnn_hh_b']))
        h = (z_g * hl + (1 - z_g) * h_tilde)[None]
    return jnp.stack(decs)

def setup_inputs(seed: int = 0):
    key = jax.random.key(seed)
    ks = [jax.random.fold_in(key, i) for i in range(10)]
    x = jax.random.normal(ks[0], (T, N, XD), jnp.float32)
    edge_index = jax.random.randint(ks[1], (T, 2, E), 0, N)
    edge_weight = jax.random.uniform(ks[2], (T, E), jnp.float32)
    edge_index_sup = jax.random.randint(ks[3], (T, 2, E), 0, N)
    edge_weight_sup = jax.random.uniform(ks[4], (T, E), jnp.float32)
    mask = jnp.ones((T, N, N), jnp.float32)
    A_scaler = jnp.ones((1,), jnp.float32)
    truths = jax.random.uniform(ks[5], (T, N, N), jnp.float32)
    eps_x = jax.random.normal(ks[6], (T, N, EX), jnp.float32)
    eps_d = jax.random.normal(ks[7], (T, N, EX), jnp.float32)
    h0 = jnp.zeros((1, N, HD), jnp.float32)
    params = _params(ks[8])
    return {'x': x, 'edge_index': edge_index, 'edge_weight': edge_weight, 'edge_index_sup': edge_index_sup, 'edge_weight_sup': edge_weight_sup, 'mask': mask, 'A_scaler': A_scaler, 'truths': truths, 'eps_x': eps_x, 'eps_d': eps_d, 'h0': h0, 'params': params}

def reference(x, edge_index, edge_weight, edge_index_sup, edge_weight_sup, mask, A_scaler, truths, eps_x, eps_d, h0, params):
    return _forward(x, edge_index, edge_weight, edge_index_sup, edge_weight_sup, eps_x, eps_d, h0, params)

if __name__ == "__main__":
    import jax
    _d = setup_inputs()
    print(jax.jit(kernel)(*tuple(_d.values())))

</pallas_src>

<mosaic_0001>
#map = affine_map<(d0, d1) -> (0, 0, 0, 0)>
#map1 = affine_map<(d0, d1) -> (0)>
#map2 = affine_map<(d0, d1) -> (0, 0)>
module attributes {stable_mosaic.version = 14 : i64} {
  func.func @body(%arg0: i32, %arg1: i32, %arg2: memref<4x16x8x128xi32, #tpu.memory_space<hbm>>, %arg3: memref<4x16x8x128xf32, #tpu.memory_space<hbm>>, %arg4: memref<16384xf32, #tpu.memory_space<hbm>>, %arg5: memref<4x262144xf32, #tpu.memory_space<hbm>>, %arg6: memref<2x8x128xi32, #tpu.memory_space<vmem>>, %arg7: memref<2x8x128xf32, #tpu.memory_space<vmem>>, %arg8: memref<262144xf32, #tpu.memory_space<vmem_shared>>, %arg9: memref<262144xf32, #tpu.memory_space<vmem_shared>>, %arg10: memref<!tpu.dma_semaphore, #tpu.memory_space<semaphore_mem>>, %arg11: memref<!tpu.dma_semaphore, #tpu.memory_space<semaphore_mem>>) attributes {dimension_semantics = [#tpu.dimension_semantics<core_parallel>, #tpu.dimension_semantics<subcore_parallel>], iteration_bounds = array<i64: 2, 16>, scalar_prefetch = 0 : i64, scratch_operands = 6 : i64, tpu.core_type = #tpu.core_type<sc_vector_subcore>, window_params = [{transform_indices = #map}, {transform_indices = #map}, {transform_indices = #map1}, {transform_indices = #map2}]} {
    %mul3A = arith.constant 2 : i32
    %mul3A_0 = arith.muli %arg0, %mul3A : i32
    %add3A = arith.constant 0 : i32
    %add3A_1 = arith.addi %mul3A_0, %add3A : i32
    %mul3A_2 = arith.constant 16384 : i32
    %mul3A_3 = arith.muli %arg1, %mul3A_2 : i32
    %dma_start3A = tpu.memref_slice %arg8[%mul3A_3] : memref<262144xf32, #tpu.memory_space<vmem_shared>> -> memref<16384xf32, #tpu.memory_space<vmem_shared>>
    tpu.enqueue_dma source(%arg4 : memref<16384xf32, #tpu.memory_space<hbm>>) target(%dma_start3A : memref<16384xf32, #tpu.memory_space<vmem_shared>>) target_semaphore(%arg10 : memref<!tpu.dma_semaphore, #tpu.memory_space<semaphore_mem>>)
    %dma_start3A_4 = arith.constant 0 : i32
    %dma_start3A_5 = arith.constant 0 : i32
    %dma_start3A_6 = arith.constant 0 : i32
    %dma_start3A_7 = tpu.memref_slice %arg6[%dma_start3A_4, %dma_start3A_5, %dma_start3A_6] : memref<2x8x128xi32, #tpu.memory_space<vmem>> -> memref<1x8x128xi32, #tpu.memory_space<vmem>>
    %dma_start3A_8 = tpu.memref_squeeze %dma_start3A_7 : memref<1x8x128xi32, #tpu.memory_space<vmem>> -> memref<8x128xi32, #tpu.memory_space<vmem>>
    %dma_start3A_9 = arith.constant 0 : i32
    %dma_start3A_10 = arith.constant 0 : i32
    %dma_start3A_11 = tpu.memref_slice %arg2[%add3A_1, %arg1, %dma_start3A_9, %dma_start3A_10] : memref<4x16x8x128xi32, #tpu.memory_space<hbm>> -> memref<1x1x8x128xi32, #tpu.memory_space<hbm>>
    %dma_start3A_12 = tpu.memref_squeeze %dma_start3A_11 : memref<1x1x8x128xi32, #tpu.memory_space<hbm>> -> memref<8x128xi32, #tpu.memory_space<hbm>>
    %dma_start3A_13 = arith.constant 0 : i32
    %dma_start3A_14 = arith.constant 0 : i32
    %dma_start3A_15 = tpu.memref_slice %arg6[%dma_start3A_4, %dma_start3A_13, %dma_start3A_14] : memref<2x8x128xi32, #tpu.memory_space<vmem>> -> memref<1x8x128xi32, #tpu.memory_space<vmem>>
    %dma_start3A_16 = tpu.memref_squeeze %dma_start3A_15 : memref<1x8x128xi32, #tpu.memory_space<vmem>> -> memref<8x128xi32, #tpu.memory_space<vmem>>
    %dma_start3A_17 = arith.constant 0 : i32
    %dma_start3A_18 = arith.constant 0 : i32
    %dma_start3A_19 = tpu.memref_slice %arg2[%add3A_1, %arg1, %dma_start3A_17, %dma_start3A_18] : memref<4x16x8x128xi32, #tpu.memory_space<hbm>> -> memref<1x1x8x128xi32, #tpu.memory_space<hbm>>
    %dma_start3A_20 = tpu.memref_squeeze %dma_start3A_19 : memref<1x1x8x128xi32, #tpu.memory_space<hbm>> -> memref<8x128xi32, #tpu.memory_space<hbm>>
    tpu.enqueue_dma source(%dma_start3A_20 : memref<8x128xi32, #tpu.memory_space<hbm>>) target(%dma_start3A_16 : memref<8x128xi32, #tpu.memory_space<vmem>>) target_semaphore(%arg10 : memref<!tpu.dma_semaphore, #tpu.memory_space<semaphore_mem>>)
    %dma_start3A_21 = arith.constant 0 : i32
    %dma_start3A_22 = arith.constant 0 : i32
    %dma_start3A_23 = arith.constant 0 : i32
    %dma_start3A_24 = tpu.memref_slice %arg7[%dma_start3A_21, %dma_start3A_22, %dma_start3A_23] : memref<2x8x128xf32, #tpu.memory_space<vmem>> -> memref<1x8x128xf32, #tpu.memory_space<vmem>>
    %dma_start3A_25 = tpu.memref_squeeze %dma_start3A_24 : memref<1x8x128xf32, #tpu.memory_space<vmem>> -> memref<8x128xf32, #tpu.memory_space<vmem>>
    %dma_start3A_26 = arith.constant 0 : i32
    %dma_start3A_27 = arith.constant 0 : i32
    %dma_start3A_28 = tpu.memref_slice %arg3[%add3A_1, %arg1, %dma_start3A_26, %dma_start3A_27] : memref<4x16x8x128xf32, #tpu.memory_space<hbm>> -> memref<1x1x8x128xf32, #tpu.memory_space<hbm>>
    %dma_start3A_29 = tpu.memref_squeeze %dma_start3A_28 : memref<1x1x8x128xf32, #tpu.memory_space<hbm>> -> memref<8x128xf32, #tpu.memory_space<hbm>>
    %dma_start3A_30 = arith.constant 0 : i32
    %dma_start3A_31 = arith.constant 0 : i32
    %dma_start3A_32 = tpu.memref_slice %arg7[%dma_start3A_21, %dma_start3A_30, %dma_start3A_31] : memref<2x8x128xf32, #tpu.memory_space<vmem>> -> memref<1x8x128xf32, #tpu.memory_space<vmem>>
    %dma_start3A_33 = tpu.memref_squeeze %dma_start3A_32 : memref<1x8x128xf32, #tpu.memory_space<vmem>> -> memref<8x128xf32, #tpu.memory_space<vmem>>
    %dma_start3A_34 = arith.constant 0 : i32
    %dma_start3A_35 = arith.constant 0 : i32
    %dma_start3A_36 = tpu.memref_slice %arg3[%add3A_1, %arg1, %dma_start3A_34, %dma_start3A_35] : memref<4x16x8x128xf32, #tpu.memory_space<hbm>> -> memref<1x1x8x128xf32, #tpu.memory_space<hbm>>
    %dma_start3A_37 = tpu.memref_squeeze %dma_start3A_36 : memref<1x1x8x128xf32, #tpu.memory_space<hbm>> -> memref<8x128xf32, #tpu.memory_space<hbm>>
    tpu.enqueue_dma source(%dma_start3A_37 : memref<8x128xf32, #tpu.memory_space<hbm>>) target(%dma_start3A_33 : memref<8x128xf32, #tpu.memory_space<vmem>>) target_semaphore(%arg10 : memref<!tpu.dma_semaphore, #tpu.memory_space<semaphore_mem>>)
    %mul3A_38 = arith.constant 2 : i32
    %mul3A_39 = arith.muli %arg0, %mul3A_38 : i32
    %add3A_40 = arith.constant 1 : i32
    %add3A_41 = arith.addi %mul3A_39, %add3A_40 : i32
    %mul3A_42 = arith.constant 16384 : i32
    %mul3A_43 = arith.muli %arg1, %mul3A_42 : i32
    %dma_start3A_44 = tpu.memref_slice %arg9[%mul3A_43] : memref<262144xf32, #tpu.memory_space<vmem_shared>> -> memref<16384xf32, #tpu.memory_space<vmem_shared>>
    tpu.enqueue_dma source(%arg4 : memref<16384xf32, #tpu.memory_space<hbm>>) target(%dma_start3A_44 : memref<16384xf32, #tpu.memory_space<vmem_shared>>) target_semaphore(%arg10 : memref<!tpu.dma_semaphore, #tpu.memory_space<semaphore_mem>>)
    %dma_start3A_45 = arith.constant 1 : i32
    %dma_start3A_46 = arith.constant 0 : i32
    %dma_start3A_47 = arith.constant 0 : i32
    %dma_start3A_48 = tpu.memref_slice %arg6[%dma_start3A_45, %dma_start3A_46, %dma_start3A_47] : memref<2x8x128xi32, #tpu.memory_space<vmem>> -> memref<1x8x128xi32, #tpu.memory_space<vmem>>
    %dma_start3A_49 = tpu.memref_squeeze %dma_start3A_48 : memref<1x8x128xi32, #tpu.memory_space<vmem>> -> memref<8x128xi32, #tpu.memory_space<vmem>>
    %dma_start3A_50 = arith.constant 0 : i32
    %dma_start3A_51 = arith.constant 0 : i32
    %dma_start3A_52 = tpu.memref_slice %arg2[%add3A_41, %arg1, %dma_start3A_50, %dma_start3A_51] : memref<4x16x8x128xi32, #tpu.memory_space<hbm>> -> memref<1x1x8x128xi32, #tpu.memory_space<hbm>>
    %dma_start3A_53 = tpu.memref_squeeze %dma_start3A_52 : memref<1x1x8x128xi32, #tpu.memory_space<hbm>> -> memref<8x128xi32, #tpu.memory_space<hbm>>
    %dma_start3A_54 = arith.constant 0 : i32
    %dma_start3A_55 = arith.constant 0 : i32
    %dma_start3A_56 = tpu.memref_slice %arg6[%dma_start3A_45, %dma_start3A_54, %dma_start3A_55] : memref<2x8x128xi32, #tpu.memory_space<vmem>> -> memref<1x8x128xi32, #tpu.memory_space<vmem>>
    %dma_start3A_57 = tpu.memref_squeeze %dma_start3A_56 : memref<1x8x128xi32, #tpu.memory_space<vmem>> -> memref<8x128xi32, #tpu.memory_space<vmem>>
    %dma_start3A_58 = arith.constant 0 : i32
    %dma_start3A_59 = arith.constant 0 : i32
    %dma_start3A_60 = tpu.memref_slice %arg2[%add3A_41, %arg1, %dma_start3A_58, %dma_start3A_59] : memref<4x16x8x128xi32, #tpu.memory_space<hbm>> -> memref<1x1x8x128xi32, #tpu.memory_space<hbm>>
    %dma_start3A_61 = tpu.memref_squeeze %dma_start3A_60 : memref<1x1x8x128xi32, #tpu.memory_space<hbm>> -> memref<8x128xi32, #tpu.memory_space<hbm>>
    tpu.enqueue_dma source(%dma_start3A_61 : memref<8x128xi32, #tpu.memory_space<hbm>>) target(%dma_start3A_57 : memref<8x128xi32, #tpu.memory_space<vmem>>) target_semaphore(%arg10 : memref<!tpu.dma_semaphore, #tpu.memory_space<semaphore_mem>>)
    %dma_start3A_62 = arith.constant 1 : i32
    %dma_start3A_63 = arith.constant 0 : i32
    %dma_start3A_64 = arith.constant 0 : i32
    %dma_start3A_65 = tpu.memref_slice %arg7[%dma_start3A_62, %dma_start3A_63, %dma_start3A_64] : memref<2x8x128xf32, #tpu.memory_space<vmem>> -> memref<1x8x128xf32, #tpu.memory_space<vmem>>
    %dma_start3A_66 = tpu.memref_squeeze %dma_start3A_65 : memref<1x8x128xf32, #tpu.memory_space<vmem>> -> memref<8x128xf32, #tpu.memory_space<vmem>>
    %dma_start3A_67 = arith.constant 0 : i32
    %dma_start3A_68 = arith.constant 0 : i32
    %dma_start3A_69 = tpu.memref_slice %arg3[%add3A_41, %arg1, %dma_start3A_67, %dma_start3A_68] : memref<4x16x8x128xf32, #tpu.memory_space<hbm>> -> memref<1x1x8x128xf32, #tpu.memory_space<hbm>>
    %dma_start3A_70 = tpu.memref_squeeze %dma_start3A_69 : memref<1x1x8x128xf32, #tpu.memory_space<hbm>> -> memref<8x128xf32, #tpu.memory_space<hbm>>
    %dma_start3A_71 = arith.constant 0 : i32
    %dma_start3A_72 = arith.constant 0 : i32
    %dma_start3A_73 = tpu.memref_slice %arg7[%dma_start3A_62, %dma_start3A_71, %dma_start3A_72] : memref<2x8x128xf32, #tpu.memory_space<vmem>> -> memref<1x8x128xf32, #tpu.memory_space<vmem>>
    %dma_start3A_74 = tpu.memref_squeeze %dma_start3A_73 : memref<1x8x128xf32, #tpu.memory_space<vmem>> -> memref<8x128xf32, #tpu.memory_space<vmem>>
    %dma_start3A_75 = arith.constant 0 : i32
    %dma_start3A_76 = arith.constant 0 : i32
    %dma_start3A_77 = tpu.memref_slice %arg3[%add3A_41, %arg1, %dma_start3A_75, %dma_start3A_76] : memref<4x16x8x128xf32, #tpu.memory_space<hbm>> -> memref<1x1x8x128xf32, #tpu.memory_space<hbm>>
    %dma_start3A_78 = tpu.memref_squeeze %dma_start3A_77 : memref<1x1x8x128xf32, #tpu.memory_space<hbm>> -> memref<8x128xf32, #tpu.memory_space<hbm>>
    tpu.enqueue_dma source(%dma_start3A_78 : memref<8x128xf32, #tpu.memory_space<hbm>>) target(%dma_start3A_74 : memref<8x128xf32, #tpu.memory_space<vmem>>) target_semaphore(%arg10 : memref<!tpu.dma_semaphore, #tpu.memory_space<semaphore_mem>>)
    %dma_wait3A = tpu.memref_slice %arg8[%mul3A_3] : memref<262144xf32, #tpu.memory_space<vmem_shared>> -> memref<16384xf32, #tpu.memory_space<vmem_shared>>
    tpu.wait_dma2 semaphore(%arg10 : memref<!tpu.dma_semaphore, #tpu.memory_space<semaphore_mem>>) src(%arg4 : memref<16384xf32, #tpu.memory_space<hbm>>) dst(%dma_wait3A : memref<16384xf32, #tpu.memory_space<vmem_shared>>)
    %dma_wait3A_79 = arith.constant 0 : i32
    %dma_wait3A_80 = arith.constant 0 : i32
    %dma_wait3A_81 = arith.constant 0 : i32
    %dma_wait3A_82 = tpu.memref_slice %arg6[%dma_wait3A_79, %dma_wait3A_80, %dma_wait3A_81] : memref<2x8x128xi32, #tpu.memory_space<vmem>> -> memref<1x8x128xi32, #tpu.memory_space<vmem>>
    %dma_wait3A_83 = tpu.memref_squeeze %dma_wait3A_82 : memref<1x8x128xi32, #tpu.memory_space<vmem>> -> memref<8x128xi32, #tpu.memory_space<vmem>>
    %dma_wait3A_84 = arith.constant 0 : i32
    %dma_wait3A_85 = arith.constant 0 : i32
    %dma_wait3A_86 = tpu.memref_slice %arg2[%add3A_1, %arg1, %dma_wait3A_84, %dma_wait3A_85] : memref<4x16x8x128xi32, #tpu.memory_space<hbm>> -> memref<1x1x8x128xi32, #tpu.memory_space<hbm>>
    %dma_wait3A_87 = tpu.memref_squeeze %dma_wait3A_86 : memref<1x1x8x128xi32, #tpu.memory_space<hbm>> -> memref<8x128xi32, #tpu.memory_space<hbm>>
    %dma_wait3A_88 = arith.constant 0 : i32
    %dma_wait3A_89 = arith.constant 0 : i32
    %dma_wait3A_90 = tpu.memref_slice %arg6[%dma_wait3A_79, %dma_wait3A_88, %dma_wait3A_89] : memref<2x8x128xi32, #tpu.memory_space<vmem>> -> memref<1x8x128xi32, #tpu.memory_space<vmem>>
    %dma_wait3A_91 = tpu.memref_squeeze %dma_wait3A_90 : memref<1x8x128xi32, #tpu.memory_space<vmem>> -> memref<8x128xi32, #tpu.memory_space<vmem>>
    %dma_wait3A_92 = arith.constant 0 : i32
    %dma_wait3A_93 = arith.constant 0 : i32
    %dma_wait3A_94 = tpu.memref_slice %arg2[%add3A_1, %arg1, %dma_wait3A_92, %dma_wait3A_93] : memref<4x16x8x128xi32, #tpu.memory_space<hbm>> -> memref<1x1x8x128xi32, #tpu.memory_space<hbm>>
    %dma_wait3A_95 = tpu.memref_squeeze %dma_wait3A_94 : memref<1x1x8x128xi32, #tpu.memory_space<hbm>> -> memref<8x128xi32, #tpu.memory_space<hbm>>
    tpu.wait_dma2 semaphore(%arg10 : memref<!tpu.dma_semaphore, #tpu.memory_space<semaphore_mem>>) src(%dma_wait3A_95 : memref<8x128xi32, #tpu.memory_space<hbm>>) dst(%dma_wait3A_91 : memref<8x128xi32, #tpu.memory_space<vmem>>)
    %dma_wait3A_96 = arith.constant 0 : i32
    %dma_wait3A_97 = arith.constant 0 : i32
    %dma_wait3A_98 = arith.constant 0 : i32
    %dma_wait3A_99 = tpu.memref_slice %arg7[%dma_wait3A_96, %dma_wait3A_97, %dma_wait3A_98] : memref<2x8x128xf32, #tpu.memory_space<vmem>> -> memref<1x8x128xf32, #tpu.memory_space<vmem>>
    %dma_wait3A_100 = tpu.memref_squeeze %dma_wait3A_99 : memref<1x8x128xf32, #tpu.memory_space<vmem>> -> memref<8x128xf32, #tpu.memory_space<vmem>>
    %dma_wait3A_101 = arith.constant 0 : i32
    %dma_wait3A_102 = arith.constant 0 : i32
    %dma_wait3A_103 = tpu.memref_slice %arg3[%add3A_1, %arg1, %dma_wait3A_101, %dma_wait3A_102] : memref<4x16x8x128xf32, #tpu.memory_space<hbm>> -> memref<1x1x8x128xf32, #tpu.memory_space<hbm>>
    %dma_wait3A_104 = tpu.memref_squeeze %dma_wait3A_103 : memref<1x1x8x128xf32, #tpu.memory_space<hbm>> -> memref<8x128xf32, #tpu.memory_space<hbm>>
    %dma_wait3A_105 = arith.constant 0 : i32
    %dma_wait3A_106 = arith.constant 0 : i32
    %dma_wait3A_107 = tpu.memref_slice %arg7[%dma_wait3A_96, %dma_wait3A_105, %dma_wait3A_106] : memref<2x8x128xf32, #tpu.memory_space<vmem>> -> memref<1x8x128xf32, #tpu.memory_space<vmem>>
    %dma_wait3A_108 = tpu.memref_squeeze %dma_wait3A_107 : memref<1x8x128xf32, #tpu.memory_space<vmem>> -> memref<8x128xf32, #tpu.memory_space<vmem>>
    %dma_wait3A_109 = arith.constant 0 : i32
    %dma_wait3A_110 = arith.constant 0 : i32
    %dma_wait3A_111 = tpu.memref_slice %arg3[%add3A_1, %arg1, %dma_wait3A_109, %dma_wait3A_110] : memref<4x16x8x128xf32, #tpu.memory_space<hbm>> -> memref<1x1x8x128xf32, #tpu.memory_space<hbm>>
    %dma_wait3A_112 = tpu.memref_squeeze %dma_wait3A_111 : memref<1x1x8x128xf32, #tpu.memory_space<hbm>> -> memref<8x128xf32, #tpu.memory_space<hbm>>
    tpu.wait_dma2 semaphore(%arg10 : memref<!tpu.dma_semaphore, #tpu.memory_space<semaphore_mem>>) src(%dma_wait3A_112 : memref<8x128xf32, #tpu.memory_space<hbm>>) dst(%dma_wait3A_108 : memref<8x128xf32, #tpu.memory_space<vmem>>)
    %dma_wait3A_113 = tpu.memref_slice %arg9[%mul3A_43] : memref<262144xf32, #tpu.memory_space<vmem_shared>> -> memref<16384xf32, #tpu.memory_space<vmem_shared>>
    tpu.wait_dma2 semaphore(%arg10 : memref<!tpu.dma_semaphore, #tpu.memory_space<semaphore_mem>>) src(%arg4 : memref<16384xf32, #tpu.memory_space<hbm>>) dst(%dma_wait3A_113 : memref<16384xf32, #tpu.memory_space<vmem_shared>>)
    %dma_wait3A_114 = arith.constant 1 : i32
    %dma_wait3A_115 = arith.constant 0 : i32
    %dma_wait3A_116 = arith.constant 0 : i32
    %dma_wait3A_117 = tpu.memref_slice %arg6[%dma_wait3A_114, %dma_wait3A_115, %dma_wait3A_116] : memref<2x8x128xi32, #tpu.memory_space<vmem>> -> memref<1x8x128xi32, #tpu.memory_space<vmem>>
    %dma_wait3A_118 = tpu.memref_squeeze %dma_wait3A_117 : memref<1x8x128xi32, #tpu.memory_space<vmem>> -> memref<8x128xi32, #tpu.memory_space<vmem>>
    %dma_wait3A_119 = arith.constant 0 : i32
    %dma_wait3A_120 = arith.constant 0 : i32
    %dma_wait3A_121 = tpu.memref_slice %arg2[%add3A_41, %arg1, %dma_wait3A_119, %dma_wait3A_120] : memref<4x16x8x128xi32, #tpu.memory_space<hbm>> -> memref<1x1x8x128xi32, #tpu.memory_space<hbm>>
    %dma_wait3A_122 = tpu.memref_squeeze %dma_wait3A_121 : memref<1x1x8x128xi32, #tpu.memory_space<hbm>> -> memref<8x128xi32, #tpu.memory_space<hbm>>
    %dma_wait3A_123 = arith.constant 0 : i32
    %dma_wait3A_124 = arith.constant 0 : i32
    %dma_wait3A_125 = tpu.memref_slice %arg6[%dma_wait3A_114, %dma_wait3A_123, %dma_wait3A_124] : memref<2x8x128xi32, #tpu.memory_space<vmem>> -> memref<1x8x128xi32, #tpu.memory_space<vmem>>
    %dma_wait3A_126 = tpu.memref_squeeze %dma_wait3A_125 : memref<1x8x128xi32, #tpu.memory_space<vmem>> -> memref<8x128xi32, #tpu.memory_space<vmem>>
    %dma_wait3A_127 = arith.constant 0 : i32
    %dma_wait3A_128 = arith.constant 0 : i32
    %dma_wait3A_129 = tpu.memref_slice %arg2[%add3A_41, %arg1, %dma_wait3A_127, %dma_wait3A_128] : memref<4x16x8x128xi32, #tpu.memory_space<hbm>> -> memref<1x1x8x128xi32, #tpu.memory_space<hbm>>
    %dma_wait3A_130 = tpu.memref_squeeze %dma_wait3A_129 : memref<1x1x8x128xi32, #tpu.memory_space<hbm>> -> memref<8x128xi32, #tpu.memory_space<hbm>>
    tpu.wait_dma2 semaphore(%arg10 : memref<!tpu.dma_semaphore, #tpu.memory_space<semaphore_mem>>) src(%dma_wait3A_130 : memref<8x128xi32, #tpu.memory_space<hbm>>) dst(%dma_wait3A_126 : memref<8x128xi32, #tpu.memory_space<vmem>>)
    %dma_wait3A_131 = arith.constant 1 : i32
    %dma_wait3A_132 = arith.constant 0 : i32
    %dma_wait3A_133 = arith.constant 0 : i32
    %dma_wait3A_134 = tpu.memref_slice %arg7[%dma_wait3A_131, %dma_wait3A_132, %dma_wait3A_133] : memref<2x8x128xf32, #tpu.memory_space<vmem>> -> memref<1x8x128xf32, #tpu.memory_space<vmem>>
    %dma_wait3A_135 = tpu.memref_squeeze %dma_wait3A_134 : memref<1x8x128xf32, #tpu.memory_space<vmem>> -> memref<8x128xf32, #tpu.memory_space<vmem>>
    %dma_wait3A_136 = arith.constant 0 : i32
    %dma_wait3A_137 = arith.constant 0 : i32
    %dma_wait3A_138 = tpu.memref_slice %arg3[%add3A_41, %arg1, %dma_wait3A_136, %dma_wait3A_137] : memref<4x16x8x128xf32, #tpu.memory_space<hbm>> -> memref<1x1x8x128xf32, #tpu.memory_space<hbm>>
    %dma_wait3A_139 = tpu.memref_squeeze %dma_wait3A_138 : memref<1x1x8x128xf32, #tpu.memory_space<hbm>> -> memref<8x128xf32, #tpu.memory_space<hbm>>
    %dma_wait3A_140 = arith.constant 0 : i32
    %dma_wait3A_141 = arith.constant 0 : i32
    %dma_wait3A_142 = tpu.memref_slice %arg7[%dma_wait3A_131, %dma_wait3A_140, %dma_wait3A_141] : memref<2x8x128xf32, #tpu.memory_space<vmem>> -> memref<1x8x128xf32, #tpu.memory_space<vmem>>
    %dma_wait3A_143 = tpu.memref_squeeze %dma_wait3A_142 : memref<1x8x128xf32, #tpu.memory_space<vmem>> -> memref<8x128xf32, #tpu.memory_space<vmem>>
    %dma_wait3A_144 = arith.constant 0 : i32
    %dma_wait3A_145 = arith.constant 0 : i32
    %dma_wait3A_146 = tpu.memref_slice %arg3[%add3A_41, %arg1, %dma_wait3A_144, %dma_wait3A_145] : memref<4x16x8x128xf32, #tpu.memory_space<hbm>> -> memref<1x1x8x128xf32, #tpu.memory_space<hbm>>
    %dma_wait3A_147 = tpu.memref_squeeze %dma_wait3A_146 : memref<1x1x8x128xf32, #tpu.memory_space<hbm>> -> memref<8x128xf32, #tpu.memory_space<hbm>>
    tpu.wait_dma2 semaphore(%arg10 : memref<!tpu.dma_semaphore, #tpu.memory_space<semaphore_mem>>) src(%dma_wait3A_147 : memref<8x128xf32, #tpu.memory_space<hbm>>) dst(%dma_wait3A_143 : memref<8x128xf32, #tpu.memory_space<vmem>>)
    %barrier3A = arith.constant 0 : index
    tpu.barrier barrier_id(%barrier3A)
    %mul3A_148 = arith.constant 2 : i32
    %mul3A_149 = arith.muli %arg0, %mul3A_148 : i32
    %add3A_150 = arith.constant 0 : i32
    %add3A_151 = arith.addi %mul3A_149, %add3A_150 : i32
    %run_scoped3A = arith.constant 0 : i32
    %run_scoped3A_152 = arith.constant 0 : i32
    %run_scoped3A_153 = arith.constant 0 : i32
    %run_scoped3A_154 = arith.constant 0 : i32
    "tpu.region"() ({
      %run_scoped3A_241 = tpu.sem_alloc : memref<!tpu.dma_semaphore, #tpu.memory_space<semaphore_mem>>
      %dma_start3A_242 = arith.constant 0 : i32
      %dma_start3A_243 = tpu.memref_slice %arg7[%run_scoped3A, %run_scoped3A_152, %dma_start3A_242] : memref<2x8x128xf32, #tpu.memory_space<vmem>> -> memref<1x1x128xf32, #tpu.memory_space<vmem>>
      %dma_start3A_244 = tpu.memref_squeeze %dma_start3A_243 : memref<1x1x128xf32, #tpu.memory_space<vmem>> -> memref<128xf32, #tpu.memory_space<vmem>>
      %dma_start3A_245 = arith.constant 0 : i32
      %dma_start3A_246 = tpu.memref_slice %arg6[%run_scoped3A_153, %run_scoped3A_154, %dma_start3A_245] : memref<2x8x128xi32, #tpu.memory_space<vmem>> -> memref<1x1x128xi32, #tpu.memory_space<vmem>>
      %dma_start3A_247 = tpu.memref_squeeze %dma_start3A_246 : memref<1x1x128xi32, #tpu.memory_space<vmem>> -> memref<128xi32, #tpu.memory_space<vmem>>
      %dma_start3A_248 = arith.constant 0 : i32
      %dma_start3A_249 = tpu.memref_slice %arg8[%dma_start3A_248] : memref<262144xf32, #tpu.memory_space<vmem_shared>> -> memref<262144xf32, #tpu.memory_space<vmem_shared>>
      tpu.enqueue_indirect_dma source(%dma_start3A_244 : memref<128xf32, #tpu.memory_space<vmem>>) target(%dma_start3A_249 : memref<262144xf32, #tpu.memory_space<vmem_shared>>) offsets(%dma_start3A_247 : memref<128xi32, #tpu.memory_space<vmem>>) semaphore(%run_scoped3A_241 : memref<!tpu.dma_semaphore, #tpu.memory_space<semaphore_mem>>) {add = true}
      %dma_wait3A_250 = arith.constant 0 : i32
      %dma_wait3A_251 = tpu.memref_slice %arg7[%run_scoped3A, %run_scoped3A_152, %dma_wait3A_250] : memref<2x8x128xf32, #tpu.memory_space<vmem>> -> memref<1x1x128xf32, #tpu.memory_space<vmem>>
      %dma_wait3A_252 = tpu.memref_squeeze %dma_wait3A_251 : memref<1x1x128xf32, #tpu.memory_space<vmem>> -> memref<128xf32, #tpu.memory_space<vmem>>
      %dma_wait3A_253 = arith.constant 0 : i32
      %dma_wait3A_254 = tpu.memref_slice %arg6[%run_scoped3A_153, %run_scoped3A_154, %dma_wait3A_253] : memref<2x8x128xi32, #tpu.memory_space<vmem>> -> memref<1x1x128xi32, #tpu.memory_space<vmem>>
      %dma_wait3A_255 = tpu.memref_squeeze %dma_wait3A_254 : memref<1x1x128xi32, #tpu.memory_space<vmem>> -> memref<128xi32, #tpu.memory_space<vmem>>
      %dma_wait3A_256 = arith.constant 0 : i32
      %dma_wait3A_257 = tpu.memref_slice %arg8[%dma_wait3A_256] : memref<262144xf32, #tpu.memory_space<vmem_shared>> -> memref<262144xf32, #tpu.memory_space<vmem_shared>>
      tpu.wait_indirect_dma semaphore(%run_scoped3A_241 : memref<!tpu.dma_semaphore, #tpu.memory_space<semaphore_mem>>) src(%dma_wait3A_252 : memref<128xf32, #tpu.memory_space<vmem>>) dst(%dma_wait3A_257 : memref<262144xf32, #tpu.memory_space<vmem_shared>>)
      tpu.yield
    }) : () -> ()
    %run_scoped3A_155 = arith.constant 0 : i32
    %run_scoped3A_156 = arith.constant 1 : i32
    %run_scoped3A_157 = arith.constant 0 : i32
    %run_scoped3A_158 = arith.constant 1 : i32
    "tpu.region"() ({
      %run_scoped3A_241 = tpu.sem_alloc : memref<!tpu.dma_semaphore, #tpu.memory_space<semaphore_mem>>
      %dma_start3A_242 = arith.constant 0 : i32
      %dma_start3A_243 = tpu.memref_slice %arg7[%run_scoped3A_155, %run_scoped3A_156, %dma_start3A_242] : memref<2x8x128xf32, #tpu.memory_space<vmem>> -> memref<1x1x128xf32, #tpu.memory_space<vmem>>
      %dma_start3A_244 = tpu.memref_squeeze %dma_start3A_243 : memref<1x1x128xf32, #tpu.memory_space<vmem>> -> memref<128xf32, #tpu.memory_space<vmem>>
      %dma_start3A_245 = arith.constant 0 : i32
      %dma_start3A_246 = tpu.memref_slice %arg6[%run_scoped3A_157, %run_scoped3A_158, %dma_start3A_245] : memref<2x8x128xi32, #tpu.memory_space<vmem>> -> memref<1x1x128xi32, #tpu.memory_space<vmem>>
      %dma_start3A_247 = tpu.memref_squeeze %dma_start3A_246 : memref<1x1x128xi32, #tpu.memory_space<vmem>> -> memref<128xi32, #tpu.memory_space<vmem>>
      %dma_start3A_248 = arith.constant 0 : i32
      %dma_start3A_249 = tpu.memref_slice %arg8[%dma_start3A_248] : memref<262144xf32, #tpu.memory_space<vmem_shared>> -> memref<262144xf32, #tpu.memory_space<vmem_shared>>
      tpu.enqueue_indirect_dma source(%dma_start3A_244 : memref<128xf32, #tpu.memory_space<vmem>>) target(%dma_start3A_249 : memref<262144xf32, #tpu.memory_space<vmem_shared>>) offsets(%dma_start3A_247 : memref<128xi32, #tpu.memory_space<vmem>>) semaphore(%run_scoped3A_241 : memref<!tpu.dma_semaphore, #tpu.memory_space<semaphore_mem>>) {add = true}
      %dma_wait3A_250 = arith.constant 0 : i32
      %dma_wait3A_251 = tpu.memref_slice %arg7[%run_scoped3A_155, %run_scoped3A_156, %dma_wait3A_250] : memref<2x8x128xf32, #tpu.memory_space<vmem>> -> memref<1x1x128xf32, #tpu.memory_space<vmem>>
      %dma_wait3A_252 = tpu.memref_squeeze %dma_wait3A_251 : memref<1x1x128xf32, #tpu.memory_space<vmem>> -> memref<128xf32, #tpu.memory_space<vmem>>
      %dma_wait3A_253 = arith.constant 0 : i32
      %dma_wait3A_254 = tpu.memref_slice %arg6[%run_scoped3A_157, %run_scoped3A_158, %dma_wait3A_253] : memref<2x8x128xi32, #tpu.memory_space<vmem>> -> memref<1x1x128xi32, #tpu.memory_space<vmem>>
      %dma_wait3A_255 = tpu.memref_squeeze %dma_wait3A_254 : memref<1x1x128xi32, #tpu.memory_space<vmem>> -> memref<128xi32, #tpu.memory_space<vmem>>
      %dma_wait3A_256 = arith.constant 0 : i32
      %dma_wait3A_257 = tpu.memref_slice %arg8[%dma_wait3A_256] : memref<262144xf32, #tpu.memory_space<vmem_shared>> -> memref<262144xf32, #tpu.memory_space<vmem_shared>>
      tpu.wait_indirect_dma semaphore(%run_scoped3A_241 : memref<!tpu.dma_semaphore, #tpu.memory_space<semaphore_mem>>) src(%dma_wait3A_252 : memref<128xf32, #tpu.memory_space<vmem>>) dst(%dma_wait3A_257 : memref<262144xf32, #tpu.memory_space<vmem_shared>>)
      tpu.yield
    }) : () -> ()
    %run_scoped3A_159 = arith.constant 0 : i32
    %run_scoped3A_160 = arith.constant 2 : i32
    %run_scoped3A_161 = arith.constant 0 : i32
    %run_scoped3A_162 = arith.constant 2 : i32
    "tpu.region"() ({
      %run_scoped3A_241 = tpu.sem_alloc : memref<!tpu.dma_semaphore, #tpu.memory_space<semaphore_mem>>
      %dma_start3A_242 = arith.constant 0 : i32
      %dma_start3A_243 = tpu.memref_slice %arg7[%run_scoped3A_159, %run_scoped3A_160, %dma_start3A_242] : memref<2x8x128xf32, #tpu.memory_space<vmem>> -> memref<1x1x128xf32, #tpu.memory_space<vmem>>
      %dma_start3A_244 = tpu.memref_squeeze %dma_start3A_243 : memref<1x1x128xf32, #tpu.memory_space<vmem>> -> memref<128xf32, #tpu.memory_space<vmem>>
      %dma_start3A_245 = arith.constant 0 : i32
      %dma_start3A_246 = tpu.memref_slice %arg6[%run_scoped3A_161, %run_scoped3A_162, %dma_start3A_245] : memref<2x8x128xi32, #tpu.memory_space<vmem>> -> memref<1x1x128xi32, #tpu.memory_space<vmem>>
      %dma_start3A_247 = tpu.memref_squeeze %dma_start3A_246 : memref<1x1x128xi32, #tpu.memory_space<vmem>> -> memref<128xi32, #tpu.memory_space<vmem>>
      %dma_start3A_248 = arith.constant 0 : i32
      %dma_start3A_249 = tpu.memref_slice %arg8[%dma_start3A_248] : memref<262144xf32, #tpu.memory_space<vmem_shared>> -> memref<262144xf32, #tpu.memory_space<vmem_shared>>
      tpu.enqueue_indirect_dma source(%dma_start3A_244 : memref<128xf32, #tpu.memory_space<vmem>>) target(%dma_start3A_249 : memref<262144xf32, #tpu.memory_space<vmem_shared>>) offsets(%dma_start3A_247 : memref<128xi32, #tpu.memory_space<vmem>>) semaphore(%run_scoped3A_241 : memref<!tpu.dma_semaphore, #tpu.memory_space<semaphore_mem>>) {add = true}
      %dma_wait3A_250 = arith.constant 0 : i32
      %dma_wait3A_251 = tpu.memref_slice %arg7[%run_scoped3A_159, %run_scoped3A_160, %dma_wait3A_250] : memref<2x8x128xf32, #tpu.memory_space<vmem>> -> memref<1x1x128xf32, #tpu.memory_space<vmem>>
      %dma_wait3A_252 = tpu.memref_squeeze %dma_wait3A_251 : memref<1x1x128xf32, #tpu.memory_space<vmem>> -> memref<128xf32, #tpu.memory_space<vmem>>
      %dma_wait3A_253 = arith.constant 0 : i32
      %dma_wait3A_254 = tpu.memref_slice %arg6[%run_scoped3A_161, %run_scoped3A_162, %dma_wait3A_253] : memref<2x8x128xi32, #tpu.memory_space<vmem>> -> memref<1x1x128xi32, #tpu.memory_space<vmem>>
      %dma_wait3A_255 = tpu.memref_squeeze %dma_wait3A_254 : memref<1x1x128xi32, #tpu.memory_space<vmem>> -> memref<128xi32, #tpu.memory_space<vmem>>
      %dma_wait3A_256 = arith.constant 0 : i32
      %dma_wait3A_257 = tpu.memref_slice %arg8[%dma_wait3A_256] : memref<262144xf32, #tpu.memory_space<vmem_shared>> -> memref<262144xf32, #tpu.memory_space<vmem_shared>>
      tpu.wait_indirect_dma semaphore(%run_scoped3A_241 : memref<!tpu.dma_semaphore, #tpu.memory_space<semaphore_mem>>) src(%dma_wait3A_252 : memref<128xf32, #tpu.memory_space<vmem>>) dst(%dma_wait3A_257 : memref<262144xf32, #tpu.memory_space<vmem_shared>>)
      tpu.yield
    }) : () -> ()
    %run_scoped3A_163 = arith.constant 0 : i32
    %run_scoped3A_164 = arith.constant 3 : i32
    %run_scoped3A_165 = arith.constant 0 : i32
    %run_scoped3A_166 = arith.constant 3 : i32
    "tpu.region"() ({
      %run_scoped3A_241 = tpu.sem_alloc : memref<!tpu.dma_semaphore, #tpu.memory_space<semaphore_mem>>
      %dma_start3A_242 = arith.constant 0 : i32
      %dma_start3A_243 = tpu.memref_slice %arg7[%run_scoped3A_163, %run_scoped3A_164, %dma_start3A_242] : memref<2x8x128xf32, #tpu.memory_space<vmem>> -> memref<1x1x128xf32, #tpu.memory_space<vmem>>
      %dma_start3A_244 = tpu.memref_squeeze %dma_start3A_243 : memref<1x1x128xf32, #tpu.memory_space<vmem>> -> memref<128xf32, #tpu.memory_space<vmem>>
      %dma_start3A_245 = arith.constant 0 : i32
      %dma_start3A_246 = tpu.memref_slice %arg6[%run_scoped3A_165, %run_scoped3A_166, %dma_start3A_245] : memref<2x8x128xi32, #tpu.memory_space<vmem>> -> memref<1x1x128xi32, #tpu.memory_space<vmem>>
      %dma_start3A_247 = tpu.memref_squeeze %dma_start3A_246 : memref<1x1x128xi32, #tpu.memory_space<vmem>> -> memref<128xi32, #tpu.memory_space<vmem>>
      %dma_start3A_248 = arith.constant 0 : i32
      %dma_start3A_249 = tpu.memref_slice %arg8[%dma_start3A_248] : memref<262144xf32, #tpu.memory_space<vmem_shared>> -> memref<262144xf32, #tpu.memory_space<vmem_shared>>
      tpu.enqueue_indirect_dma source(%dma_start3A_244 : memref<128xf32, #tpu.memory_space<vmem>>) target(%dma_start3A_249 : memref<262144xf32, #tpu.memory_space<vmem_shared>>) offsets(%dma_start3A_247 : memref<128xi32, #tpu.memory_space<vmem>>) semaphore(%run_scoped3A_241 : memref<!tpu.dma_semaphore, #tpu.memory_space<semaphore_mem>>) {add = true}
      %dma_wait3A_250 = arith.constant 0 : i32
      %dma_wait3A_251 = tpu.memref_slice %arg7[%run_scoped3A_163, %run_scoped3A_164, %dma_wait3A_250] : memref<2x8x128xf32, #tpu.memory_space<vmem>> -> memref<1x1x128xf32, #tpu.memory_space<vmem>>
      %dma_wait3A_252 = tpu.memref_squeeze %dma_wait3A_251 : memref<1x1x128xf32, #tpu.memory_space<vmem>> -> memref<128xf32, #tpu.memory_space<vmem>>
      %dma_wait3A_253 = arith.constant 0 : i32
      %dma_wait3A_254 = tpu.memref_slice %arg6[%run_scoped3A_165, %run_scoped3A_166, %dma_wait3A_253] : memref<2x8x128xi32, #tpu.memory_space<vmem>> -> memref<1x1x128xi32, #tpu.memory_space<vmem>>
      %dma_wait3A_255 = tpu.memref_squeeze %dma_wait3A_254 : memref<1x1x128xi32, #tpu.memory_space<vmem>> -> memref<128xi32, #tpu.memory_space<vmem>>
      %dma_wait3A_256 = arith.constant 0 : i32
      %dma_wait3A_257 = tpu.memref_slice %arg8[%dma_wait3A_256] : memref<262144xf32, #tpu.memory_space<vmem_shared>> -> memref<262144xf32, #tpu.memory_space<vmem_shared>>
      tpu.wait_indirect_dma semaphore(%run_scoped3A_241 : memref<!tpu.dma_semaphore, #tpu.memory_space<semaphore_mem>>) src(%dma_wait3A_252 : memref<128xf32, #tpu.memory_space<vmem>>) dst(%dma_wait3A_257 : memref<262144xf32, #tpu.memory_space<vmem_shared>>)
      tpu.yield
    }) : () -> ()
    %run_scoped3A_167 = arith.constant 0 : i32
    %run_scoped3A_168 = arith.constant 4 : i32
    %run_scoped3A_169 = arith.constant 0 : i32
    %run_scoped3A_170 = arith.constant 4 : i32
    "tpu.region"() ({
      %run_scoped3A_241 = tpu.sem_alloc : memref<!tpu.dma_semaphore, #tpu.memory_space<semaphore_mem>>
      %dma_start3A_242 = arith.constant 0 : i32
      %dma_start3A_243 = tpu.memref_slice %arg7[%run_scoped3A_167, %run_scoped3A_168, %dma_start3A_242] : memref<2x8x128xf32, #tpu.memory_space<vmem>> -> memref<1x1x128xf32, #tpu.memory_space<vmem>>
      %dma_start3A_244 = tpu.memref_squeeze %dma_start3A_243 : memref<1x1x128xf32, #tpu.memory_space<vmem>> -> memref<128xf32, #tpu.memory_space<vmem>>
      %dma_start3A_245 = arith.constant 0 : i32
      %dma_start3A_246 = tpu.memref_slice %arg6[%run_scoped3A_169, %run_scoped3A_170, %dma_start3A_245] : memref<2x8x128xi32, #tpu.memory_space<vmem>> -> memref<1x1x128xi32, #tpu.memory_space<vmem>>
      %dma_start3A_247 = tpu.memref_squeeze %dma_start3A_246 : memref<1x1x128xi32, #tpu.memory_space<vmem>> -> memref<128xi32, #tpu.memory_space<vmem>>
      %dma_start3A_248 = arith.constant 0 : i32
      %dma_start3A_249 = tpu.memref_slice %arg8[%dma_start3A_248] : memref<262144xf32, #tpu.memory_space<vmem_shared>> -> memref<262144xf32, #tpu.memory_space<vmem_shared>>
      tpu.enqueue_indirect_dma source(%dma_start3A_244 : memref<128xf32, #tpu.memory_space<vmem>>) target(%dma_start3A_249 : memref<262144xf32, #tpu.memory_space<vmem_shared>>) offsets(%dma_start3A_247 : memref<128xi32, #tpu.memory_space<vmem>>) semaphore(%run_scoped3A_241 : memref<!tpu.dma_semaphore, #tpu.memory_space<semaphore_mem>>) {add = true}
      %dma_wait3A_250 = arith.constant 0 : i32
      %dma_wait3A_251 = tpu.memref_slice %arg7[%run_scoped3A_167, %run_scoped3A_168, %dma_wait3A_250] : memref<2x8x128xf32, #tpu.memory_space<vmem>> -> memref<1x1x128xf32, #tpu.memory_space<vmem>>
      %dma_wait3A_252 = tpu.memref_squeeze %dma_wait3A_251 : memref<1x1x128xf32, #tpu.memory_space<vmem>> -> memref<128xf32, #tpu.memory_space<vmem>>
      %dma_wait3A_253 = arith.constant 0 : i32
      %dma_wait3A_254 = tpu.memref_slice %arg6[%run_scoped3A_169, %run_scoped3A_170, %dma_wait3A_253] : memref<2x8x128xi32, #tpu.memory_space<vmem>> -> memref<1x1x128xi32, #tpu.memory_space<vmem>>
      %dma_wait3A_255 = tpu.memref_squeeze %dma_wait3A_254 : memref<1x1x128xi32, #tpu.memory_space<vmem>> -> memref<128xi32, #tpu.memory_space<vmem>>
      %dma_wait3A_256 = arith.constant 0 : i32
      %dma_wait3A_257 = tpu.memref_slice %arg8[%dma_wait3A_256] : memref<262144xf32, #tpu.memory_space<vmem_shared>> -> memref<262144xf32, #tpu.memory_space<vmem_shared>>
      tpu.wait_indirect_dma semaphore(%run_scoped3A_241 : memref<!tpu.dma_semaphore, #tpu.memory_space<semaphore_mem>>) src(%dma_wait3A_252 : memref<128xf32, #tpu.memory_space<vmem>>) dst(%dma_wait3A_257 : memref<262144xf32, #tpu.memory_space<vmem_shared>>)
      tpu.yield
    }) : () -> ()
    %run_scoped3A_171 = arith.constant 0 : i32
    %run_scoped3A_172 = arith.constant 5 : i32
    %run_scoped3A_173 = arith.constant 0 : i32
    %run_scoped3A_174 = arith.constant 5 : i32
    "tpu.region"() ({
      %run_scoped3A_241 = tpu.sem_alloc : memref<!tpu.dma_semaphore, #tpu.memory_space<semaphore_mem>>
      %dma_start3A_242 = arith.constant 0 : i32
      %dma_start3A_243 = tpu.memref_slice %arg7[%run_scoped3A_171, %run_scoped3A_172, %dma_start3A_242] : memref<2x8x128xf32, #tpu.memory_space<vmem>> -> memref<1x1x128xf32, #tpu.memory_space<vmem>>
      %dma_start3A_244 = tpu.memref_squeeze %dma_start3A_243 : memref<1x1x128xf32, #tpu.memory_space<vmem>> -> memref<128xf32, #tpu.memory_space<vmem>>
      %dma_start3A_245 = arith.constant 0 : i32
      %dma_start3A_246 = tpu.memref_slice %arg6[%run_scoped3A_173, %run_scoped3A_174, %dma_start3A_245] : memref<2x8x128xi32, #tpu.memory_space<vmem>> -> memref<1x1x128xi32, #tpu.memory_space<vmem>>
      %dma_start3A_247 = tpu.memref_squeeze %dma_start3A_246 : memref<1x1x128xi32, #tpu.memory_space<vmem>> -> memref<128xi32, #tpu.memory_space<vmem>>
      %dma_start3A_248 = arith.constant 0 : i32
      %dma_start3A_249 = tpu.memref_slice %arg8[%dma_start3A_248] : memref<262144xf32, #tpu.memory_space<vmem_shared>> -> memref<262144xf32, #tpu.memory_space<vmem_shared>>
      tpu.enqueue_indirect_dma source(%dma_start3A_244 : memref<128xf32, #tpu.memory_space<vmem>>) target(%dma_start3A_249 : memref<262144xf32, #tpu.memory_space<vmem_shared>>) offsets(%dma_start3A_247 : memref<128xi32, #tpu.memory_space<vmem>>) semaphore(%run_scoped3A_241 : memref<!tpu.dma_semaphore, #tpu.memory_space<semaphore_mem>>) {add = true}
      %dma_wait3A_250 = arith.constant 0 : i32
      %dma_wait3A_251 = tpu.memref_slice %arg7[%run_scoped3A_171, %run_scoped3A_172, %dma_wait3A_250] : memref<2x8x128xf32, #tpu.memory_space<vmem>> -> memref<1x1x128xf32, #tpu.memory_space<vmem>>
      %dma_wait3A_252 = tpu.memref_squeeze %dma_wait3A_251 : memref<1x1x128xf32, #tpu.memory_space<vmem>> -> memref<128xf32, #tpu.memory_space<vmem>>
      %dma_wait3A_253 = arith.constant 0 : i32
      %dma_wait3A_254 = tpu.memref_slice %arg6[%run_scoped3A_173, %run_scoped3A_174, %dma_wait3A_253] : memref<2x8x128xi32, #tpu.memory_space<vmem>> -> memref<1x1x128xi32, #tpu.memory_space<vmem>>
      %dma_wait3A_255 = tpu.memref_squeeze %dma_wait3A_254 : memref<1x1x128xi32, #tpu.memory_space<vmem>> -> memref<128xi32, #tpu.memory_space<vmem>>
      %dma_wait3A_256 = arith.constant 0 : i32
      %dma_wait3A_257 = tpu.memref_slice %arg8[%dma_wait3A_256] : memref<262144xf32, #tpu.memory_space<vmem_shared>> -> memref<262144xf32, #tpu.memory_space<vmem_shared>>
      tpu.wait_indirect_dma semaphore(%run_scoped3A_241 : memref<!tpu.dma_semaphore, #tpu.memory_space<semaphore_mem>>) src(%dma_wait3A_252 : memref<128xf32, #tpu.memory_space<vmem>>) dst(%dma_wait3A_257 : memref<262144xf32, #tpu.memory_space<vmem_shared>>)
      tpu.yield
    }) : () -> ()
    %run_scoped3A_175 = arith.constant 0 : i32
    %run_scoped3A_176 = arith.constant 6 : i32
    %run_scoped3A_177 = arith.constant 0 : i32
    %run_scoped3A_178 = arith.constant 6 : i32
    "tpu.region"() ({
      %run_scoped3A_241 = tpu.sem_alloc : memref<!tpu.dma_semaphore, #tpu.memory_space<semaphore_mem>>
      %dma_start3A_242 = arith.constant 0 : i32
      %dma_start3A_243 = tpu.memref_slice %arg7[%run_scoped3A_175, %run_scoped3A_176, %dma_start3A_242] : memref<2x8x128xf32, #tpu.memory_space<vmem>> -> memref<1x1x128xf32, #tpu.memory_space<vmem>>
      %dma_start3A_244 = tpu.memref_squeeze %dma_start3A_243 : memref<1x1x128xf32, #tpu.memory_space<vmem>> -> memref<128xf32, #tpu.memory_space<vmem>>
      %dma_start3A_245 = arith.constant 0 : i32
      %dma_start3A_246 = tpu.memref_slice %arg6[%run_scoped3A_177, %run_scoped3A_178, %dma_start3A_245] : memref<2x8x128xi32, #tpu.memory_space<vmem>> -> memref<1x1x128xi32, #tpu.memory_space<vmem>>
      %dma_start3A_247 = tpu.memref_squeeze %dma_start3A_246 : memref<1x1x128xi32, #tpu.memory_space<vmem>> -> memref<128xi32, #tpu.memory_space<vmem>>
      %dma_start3A_248 = arith.constant 0 : i32
      %dma_start3A_249 = tpu.memref_slice %arg8[%dma_start3A_248] : memref<262144xf32, #tpu.memory_space<vmem_shared>> -> memref<262144xf32, #tpu.memory_space<vmem_shared>>
      tpu.enqueue_indirect_dma source(%dma_start3A_244 : memref<128xf32, #tpu.memory_space<vmem>>) target(%dma_start3A_249 : memref<262144xf32, #tpu.memory_space<vmem_shared>>) offsets(%dma_start3A_247 : memref<128xi32, #tpu.memory_space<vmem>>) semaphore(%run_scoped3A_241 : memref<!tpu.dma_semaphore, #tpu.memory_space<semaphore_mem>>) {add = true}
      %dma_wait3A_250 = arith.constant 0 : i32
      %dma_wait3A_251 = tpu.memref_slice %arg7[%run_scoped3A_175, %run_scoped3A_176, %dma_wait3A_250] : memref<2x8x128xf32, #tpu.memory_space<vmem>> -> memref<1x1x128xf32, #tpu.memory_space<vmem>>
      %dma_wait3A_252 = tpu.memref_squeeze %dma_wait3A_251 : memref<1x1x128xf32, #tpu.memory_space<vmem>> -> memref<128xf32, #tpu.memory_space<vmem>>
      %dma_wait3A_253 = arith.constant 0 : i32
      %dma_wait3A_254 = tpu.memref_slice %arg6[%run_scoped3A_177, %run_scoped3A_178, %dma_wait3A_253] : memref<2x8x128xi32, #tpu.memory_space<vmem>> -> memref<1x1x128xi32, #tpu.memory_space<vmem>>
      %dma_wait3A_255 = tpu.memref_squeeze %dma_wait3A_254 : memref<1x1x128xi32, #tpu.memory_space<vmem>> -> memref<128xi32, #tpu.memory_space<vmem>>
      %dma_wait3A_256 = arith.constant 0 : i32
      %dma_wait3A_257 = tpu.memref_slice %arg8[%dma_wait3A_256] : memref<262144xf32, #tpu.memory_space<vmem_shared>> -> memref<262144xf32, #tpu.memory_space<vmem_shared>>
      tpu.wait_indirect_dma semaphore(%run_scoped3A_241 : memref<!tpu.dma_semaphore, #tpu.memory_space<semaphore_mem>>) src(%dma_wait3A_252 : memref<128xf32, #tpu.memory_space<vmem>>) dst(%dma_wait3A_257 : memref<262144xf32, #tpu.memory_space<vmem_shared>>)
      tpu.yield
    }) : () -> ()
    %run_scoped3A_179 = arith.constant 0 : i32
    %run_scoped3A_180 = arith.constant 7 : i32
    %run_scoped3A_181 = arith.constant 0 : i32
    %run_scoped3A_182 = arith.constant 7 : i32
    "tpu.region"() ({
      %run_scoped3A_241 = tpu.sem_alloc : memref<!tpu.dma_semaphore, #tpu.memory_space<semaphore_mem>>
      %dma_start3A_242 = arith.constant 0 : i32
      %dma_start3A_243 = tpu.memref_slice %arg7[%run_scoped3A_179, %run_scoped3A_180, %dma_start3A_242] : memref<2x8x128xf32, #tpu.memory_space<vmem>> -> memref<1x1x128xf32, #tpu.memory_space<vmem>>
      %dma_start3A_244 = tpu.memref_squeeze %dma_start3A_243 : memref<1x1x128xf32, #tpu.memory_space<vmem>> -> memref<128xf32, #tpu.memory_space<vmem>>
      %dma_start3A_245 = arith.constant 0 : i32
      %dma_start3A_246 = tpu.memref_slice %arg6[%run_scoped3A_181, %run_scoped3A_182, %dma_start3A_245] : memref<2x8x128xi32, #tpu.memory_space<vmem>> -> memref<1x1x128xi32, #tpu.memory_space<vmem>>
      %dma_start3A_247 = tpu.memref_squeeze %dma_start3A_246 : memref<1x1x128xi32, #tpu.memory_space<vmem>> -> memref<128xi32, #tpu.memory_space<vmem>>
      %dma_start3A_248 = arith.constant 0 : i32
      %dma_start3A_249 = tpu.memref_slice %arg8[%dma_start3A_248] : memref<262144xf32, #tpu.memory_space<vmem_shared>> -> memref<262144xf32, #tpu.memory_space<vmem_shared>>
      tpu.enqueue_indirect_dma source(%dma_start3A_244 : memref<128xf32, #tpu.memory_space<vmem>>) target(%dma_start3A_249 : memref<262144xf32, #tpu.memory_space<vmem_shared>>) offsets(%dma_start3A_247 : memref<128xi32, #tpu.memory_space<vmem>>) semaphore(%run_scoped3A_241 : memref<!tpu.dma_semaphore, #tpu.memory_space<semaphore_mem>>) {add = true}
      %dma_wait3A_250 = arith.constant 0 : i32
      %dma_wait3A_251 = tpu.memref_slice %arg7[%run_scoped3A_179, %run_scoped3A_180, %dma_wait3A_250] : memref<2x8x128xf32, #tpu.memory_space<vmem>> -> memref<1x1x128xf32, #tpu.memory_space<vmem>>
      %dma_wait3A_252 = tpu.memref_squeeze %dma_wait3A_251 : memref<1x1x128xf32, #tpu.memory_space<vmem>> -> memref<128xf32, #tpu.memory_space<vmem>>
      %dma_wait3A_253 = arith.constant 0 : i32
      %dma_wait3A_254 = tpu.memref_slice %arg6[%run_scoped3A_181, %run_scoped3A_182, %dma_wait3A_253] : memref<2x8x128xi32, #tpu.memory_space<vmem>> -> memref<1x1x128xi32, #tpu.memory_space<vmem>>
      %dma_wait3A_255 = tpu.memref_squeeze %dma_wait3A_254 : memref<1x1x128xi32, #tpu.memory_space<vmem>> -> memref<128xi32, #tpu.memory_space<vmem>>
      %dma_wait3A_256 = arith.constant 0 : i32
      %dma_wait3A_257 = tpu.memref_slice %arg8[%dma_wait3A_256] : memref<262144xf32, #tpu.memory_space<vmem_shared>> -> memref<262144xf32, #tpu.memory_space<vmem_shared>>
      tpu.wait_indirect_dma semaphore(%run_scoped3A_241 : memref<!tpu.dma_semaphore, #tpu.memory_space<semaphore_mem>>) src(%dma_wait3A_252 : memref<128xf32, #tpu.memory_space<vmem>>) dst(%dma_wait3A_257 : memref<262144xf32, #tpu.memory_space<vmem_shared>>)
      tpu.yield
    }) : () -> ()
    %barrier3A_183 = arith.constant 0 : index
    tpu.barrier barrier_id(%barrier3A_183)
    %mul3A_184 = arith.constant 16384 : i32
    %mul3A_185 = arith.muli %arg1, %mul3A_184 : i32
    %mul3A_186 = arith.constant 16384 : i32
    %mul3A_187 = arith.muli %arg1, %mul3A_186 : i32
    %dma_start3A_188 = tpu.memref_slice %arg5[%add3A_151, %mul3A_187] : memref<4x262144xf32, #tpu.memory_space<hbm>> -> memref<1x16384xf32, #tpu.memory_space<hbm>>
    %dma_start3A_189 = tpu.memref_squeeze %dma_start3A_188 : memref<1x16384xf32, #tpu.memory_space<hbm>> -> memref<16384xf32, #tpu.memory_space<hbm>>
    %dma_start3A_190 = tpu.memref_slice %arg8[%mul3A_185] : memref<262144xf32, #tpu.memory_space<vmem_shared>> -> memref<16384xf32, #tpu.memory_space<vmem_shared>>
    tpu.enqueue_dma source(%dma_start3A_190 : memref<16384xf32, #tpu.memory_space<vmem_shared>>) target(%dma_start3A_189 : memref<16384xf32, #tpu.memory_space<hbm>>) target_semaphore(%arg11 : memref<!tpu.dma_semaphore, #tpu.memory_space<semaphore_mem>>)
    %mul3A_191 = arith.constant 2 : i32
    %mul3A_192 = arith.muli %arg0, %mul3A_191 : i32
    %add3A_193 = arith.constant 1 : i32
    %add3A_194 = arith.addi %mul3A_192, %add3A_193 : i32
    %run_scoped3A_195 = arith.constant 1 : i32
    %run_scoped3A_196 = arith.constant 0 : i32
    %run_scoped3A_197 = arith.constant 1 : i32
    %run_scoped3A_198 = arith.constant 0 : i32
    "tpu.region"() ({
      %run_scoped3A_241 = tpu.sem_alloc : memref<!tpu.dma_semaphore, #tpu.memory_space<semaphore_mem>>
      %dma_start3A_242 = arith.constant 0 : i32
      %dma_start3A_243 = tpu.memref_slice %arg7[%run_scoped3A_195, %run_scoped3A_196, %dma_start3A_242] : memref<2x8x128xf32, #tpu.memory_space<vmem>> -> memref<1x1x128xf32, #tpu.memory_space<vmem>>
      %dma_start3A_244 = tpu.memref_squeeze %dma_start3A_243 : memref<1x1x128xf32, #tpu.memory_space<vmem>> -> memref<128xf32, #tpu.memory_space<vmem>>
      %dma_start3A_245 = arith.constant 0 : i32
      %dma_start3A_246 = tpu.memref_slice %arg6[%run_scoped3A_197, %run_scoped3A_198, %dma_start3A_245] : memref<2x8x128xi32, #tpu.memory_space<vmem>> -> memref<1x1x128xi32, #tpu.memory_space<vmem>>
      %dma_start3A_247 = tpu.memref_squeeze %dma_start3A_246 : memref<1x1x128xi32, #tpu.memory_space<vmem>> -> memref<128xi32, #tpu.memory_space<vmem>>
      %dma_start3A_248 = arith.constant 0 : i32
      %dma_start3A_249 = tpu.memref_slice %arg9[%dma_start3A_248] : memref<262144xf32, #tpu.memory_space<vmem_shared>> -> memref<262144xf32, #tpu.memory_space<vmem_shared>>
      tpu.enqueue_indirect_dma source(%dma_start3A_244 : memref<128xf32, #tpu.memory_space<vmem>>) target(%dma_start3A_249 : memref<262144xf32, #tpu.memory_space<vmem_shared>>) offsets(%dma_start3A_247 : memref<128xi32, #tpu.memory_space<vmem>>) semaphore(%run_scoped3A_241 : memref<!tpu.dma_semaphore, #tpu.memory_space<semaphore_mem>>) {add = true}
      %dma_wait3A_250 = arith.constant 0 : i32
      %dma_wait3A_251 = tpu.memref_slice %arg7[%run_scoped3A_195, %run_scoped3A_196, %dma_wait3A_250] : memref<2x8x128xf32, #tpu.memory_space<vmem>> -> memref<1x1x128xf32, #tpu.memory_space<vmem>>
      %dma_wait3A_252 = tpu.memref_squeeze %dma_wait3A_251 : memref<1x1x128xf32, #tpu.memory_space<vmem>> -> memref<128xf32, #tpu.memory_space<vmem>>
      %dma_wait3A_253 = arith.constant 0 : i32
      %dma_wait3A_254 = tpu.memref_slice %arg6[%run_scoped3A_197, %run_scoped3A_198, %dma_wait3A_253] : memref<2x8x128xi32, #tpu.memory_space<vmem>> -> memref<1x1x128xi32, #tpu.memory_space<vmem>>
      %dma_wait3A_255 = tpu.memref_squeeze %dma_wait3A_254 : memref<1x1x128xi32, #tpu.memory_space<vmem>> -> memref<128xi32, #tpu.memory_space<vmem>>
      %dma_wait3A_256 = arith.constant 0 : i32
      %dma_wait3A_257 = tpu.memref_slice %arg9[%dma_wait3A_256] : memref<262144xf32, #tpu.memory_space<vmem_shared>> -> memref<262144xf32, #tpu.memory_space<vmem_shared>>
      tpu.wait_indirect_dma semaphore(%run_scoped3A_241 : memref<!tpu.dma_semaphore, #tpu.memory_space<semaphore_mem>>) src(%dma_wait3A_252 : memref<128xf32, #tpu.memory_space<vmem>>) dst(%dma_wait3A_257 : memref<262144xf32, #tpu.memory_space<vmem_shared>>)
      tpu.yield
    }) : () -> ()
    %run_scoped3A_199 = arith.constant 1 : i32
    %run_scoped3A_200 = arith.constant 1 : i32
    %run_scoped3A_201 = arith.constant 1 : i32
    %run_scoped3A_202 = arith.constant 1 : i32
    "tpu.region"() ({
      %run_scoped3A_241 = tpu.sem_alloc : memref<!tpu.dma_semaphore, #tpu.memory_space<semaphore_mem>>
      %dma_start3A_242 = arith.constant 0 : i32
      %dma_start3A_243 = tpu.memref_slice %arg7[%run_scoped3A_199, %run_scoped3A_200, %dma_start3A_242] : memref<2x8x128xf32, #tpu.memory_space<vmem>> -> memref<1x1x128xf32, #tpu.memory_space<vmem>>
      %dma_start3A_244 = tpu.memref_squeeze %dma_start3A_243 : memref<1x1x128xf32, #tpu.memory_space<vmem>> -> memref<128xf32, #tpu.memory_space<vmem>>
      %dma_start3A_245 = arith.constant 0 : i32
      %dma_start3A_246 = tpu.memref_slice %arg6[%run_scoped3A_201, %run_scoped3A_202, %dma_start3A_245] : memref<2x8x128xi32, #tpu.memory_space<vmem>> -> memref<1x1x128xi32, #tpu.memory_space<vmem>>
      %dma_start3A_247 = tpu.memref_squeeze %dma_start3A_246 : memref<1x1x128xi32, #tpu.memory_space<vmem>> -> memref<128xi32, #tpu.memory_space<vmem>>
      %dma_start3A_248 = arith.constant 0 : i32
      %dma_start3A_249 = tpu.memref_slice %arg9[%dma_start3A_248] : memref<262144xf32, #tpu.memory_space<vmem_shared>> -> memref<262144xf32, #tpu.memory_space<vmem_shared>>
      tpu.enqueue_indirect_dma source(%dma_start3A_244 : memref<128xf32, #tpu.memory_space<vmem>>) target(%dma_start3A_249 : memref<262144xf32, #tpu.memory_space<vmem_shared>>) offsets(%dma_start3A_247 : memref<128xi32, #tpu.memory_space<vmem>>) semaphore(%run_scoped3A_241 : memref<!tpu.dma_semaphore, #tpu.memory_space<semaphore_mem>>) {add = true}
      %dma_wait3A_250 = arith.constant 0 : i32
      %dma_wait3A_251 = tpu.memref_slice %arg7[%run_scoped3A_199, %run_scoped3A_200, %dma_wait3A_250] : memref<2x8x128xf32, #tpu.memory_space<vmem>> -> memref<1x1x128xf32, #tpu.memory_space<vmem>>
      %dma_wait3A_252 = tpu.memref_squeeze %dma_wait3A_251 : memref<1x1x128xf32, #tpu.memory_space<vmem>> -> memref<128xf32, #tpu.memory_space<vmem>>
      %dma_wait3A_253 = arith.constant 0 : i32
      %dma_wait3A_254 = tpu.memref_slice %arg6[%run_scoped3A_201, %run_scoped3A_202, %dma_wait3A_253] : memref<2x8x128xi32, #tpu.memory_space<vmem>> -> memref<1x1x128xi32, #tpu.memory_space<vmem>>
      %dma_wait3A_255 = tpu.memref_squeeze %dma_wait3A_254 : memref<1x1x128xi32, #tpu.memory_space<vmem>> -> memref<128xi32, #tpu.memory_space<vmem>>
      %dma_wait3A_256 = arith.constant 0 : i32
      %dma_wait3A_257 = tpu.memref_slice %arg9[%dma_wait3A_256] : memref<262144xf32, #tpu.memory_space<vmem_shared>> -> memref<262144xf32, #tpu.memory_space<vmem_shared>>
      tpu.wait_indirect_dma semaphore(%run_scoped3A_241 : memref<!tpu.dma_semaphore, #tpu.memory_space<semaphore_mem>>) src(%dma_wait3A_252 : memref<128xf32, #tpu.memory_space<vmem>>) dst(%dma_wait3A_257 : memref<262144xf32, #tpu.memory_space<vmem_shared>>)
      tpu.yield
    }) : () -> ()
    %run_scoped3A_203 = arith.constant 1 : i32
    %run_scoped3A_204 = arith.constant 2 : i32
    %run_scoped3A_205 = arith.constant 1 : i32
    %run_scoped3A_206 = arith.constant 2 : i32
    "tpu.region"() ({
      %run_scoped3A_241 = tpu.sem_alloc : memref<!tpu.dma_semaphore, #tpu.memory_space<semaphore_mem>>
      %dma_start3A_242 = arith.constant 0 : i32
      %dma_start3A_243 = tpu.memref_slice %arg7[%run_scoped3A_203, %run_scoped3A_204, %dma_start3A_242] : memref<2x8x128xf32, #tpu.memory_space<vmem>> -> memref<1x1x128xf32, #tpu.memory_space<vmem>>
      %dma_start3A_244 = tpu.memref_squeeze %dma_start3A_243 : memref<1x1x128xf32, #tpu.memory_space<vmem>> -> memref<128xf32, #tpu.memory_space<vmem>>
      %dma_start3A_245 = arith.constant 0 : i32
      %dma_start3A_246 = tpu.memref_slice %arg6[%run_scoped3A_205, %run_scoped3A_206, %dma_start3A_245] : memref<2x8x128xi32, #tpu.memory_space<vmem>> -> memref<1x1x128xi32, #tpu.memory_space<vmem>>
      %dma_start3A_247 = tpu.memref_squeeze %dma_start3A_246 : memref<1x1x128xi32, #tpu.memory_space<vmem>> -> memref<128xi32, #tpu.memory_space<vmem>>
      %dma_start3A_248 = arith.constant 0 : i32
      %dma_start3A_249 = tpu.memref_slice %arg9[%dma_start3A_248] : memref<262144xf32, #tpu.memory_space<vmem_shared>> -> memref<262144xf32, #tpu.memory_space<vmem_shared>>
      tpu.enqueue_indirect_dma source(%dma_start3A_244 : memref<128xf32, #tpu.memory_space<vmem>>) target(%dma_start3A_249 : memref<262144xf32, #tpu.memory_space<vmem_shared>>) offsets(%dma_start3A_247 : memref<128xi32, #tpu.memory_space<vmem>>) semaphore(%run_scoped3A_241 : memref<!tpu.dma_semaphore, #tpu.memory_space<semaphore_mem>>) {add = true}
      %dma_wait3A_250 = arith.constant 0 : i32
      %dma_wait3A_251 = tpu.memref_slice %arg7[%run_scoped3A_203, %run_scoped3A_204, %dma_wait3A_250] : memref<2x8x128xf32, #tpu.memory_space<vmem>> -> memref<1x1x128xf32, #tpu.memory_space<vmem>>
      %dma_wait3A_252 = tpu.memref_squeeze %dma_wait3A_251 : memref<1x1x128xf32, #tpu.memory_space<vmem>> -> memref<128xf32, #tpu.memory_space<vmem>>
      %dma_wait3A_253 = arith.constant 0 : i32
      %dma_wait3A_254 = tpu.memref_slice %arg6[%run_scoped3A_205, %run_scoped3A_206, %dma_wait3A_253] : memref<2x8x128xi32, #tpu.memory_space<vmem>> -> memref<1x1x128xi32, #tpu.memory_space<vmem>>
      %dma_wait3A_255 = tpu.memref_squeeze %dma_wait3A_254 : memref<1x1x128xi32, #tpu.memory_space<vmem>> -> memref<128xi32, #tpu.memory_space<vmem>>
      %dma_wait3A_256 = arith.constant 0 : i32
      %dma_wait3A_257 = tpu.memref_slice %arg9[%dma_wait3A_256] : memref<262144xf32, #tpu.memory_space<vmem_shared>> -> memref<262144xf32, #tpu.memory_space<vmem_shared>>
      tpu.wait_indirect_dma semaphore(%run_scoped3A_241 : memref<!tpu.dma_semaphore, #tpu.memory_space<semaphore_mem>>) src(%dma_wait3A_252 : memref<128xf32, #tpu.memory_space<vmem>>) dst(%dma_wait3A_257 : memref<262144xf32, #tpu.memory_space<vmem_shared>>)
      tpu.yield
    }) : () -> ()
    %run_scoped3A_207 = arith.constant 1 : i32
    %run_scoped3A_208 = arith.constant 3 : i32
    %run_scoped3A_209 = arith.constant 1 : i32
    %run_scoped3A_210 = arith.constant 3 : i32
    "tpu.region"() ({
      %run_scoped3A_241 = tpu.sem_alloc : memref<!tpu.dma_semaphore, #tpu.memory_space<semaphore_mem>>
      %dma_start3A_242 = arith.constant 0 : i32
      %dma_start3A_243 = tpu.memref_slice %arg7[%run_scoped3A_207, %run_scoped3A_208, %dma_start3A_242] : memref<2x8x128xf32, #tpu.memory_space<vmem>> -> memref<1x1x128xf32, #tpu.memory_space<vmem>>
      %dma_start3A_244 = tpu.memref_squeeze %dma_start3A_243 : memref<1x1x128xf32, #tpu.memory_space<vmem>> -> memref<128xf32, #tpu.memory_space<vmem>>
      %dma_start3A_245 = arith.constant 0 : i32
      %dma_start3A_246 = tpu.memref_slice %arg6[%run_scoped3A_209, %run_scoped3A_210, %dma_start3A_245] : memref<2x8x128xi32, #tpu.memory_space<vmem>> -> memref<1x1x128xi32, #tpu.memory_space<vmem>>
      %dma_start3A_247 = tpu.memref_squeeze %dma_start3A_246 : memref<1x1x128xi32, #tpu.memory_space<vmem>> -> memref<128xi32, #tpu.memory_space<vmem>>
      %dma_start3A_248 = arith.constant 0 : i32
      %dma_start3A_249 = tpu.memref_slice %arg9[%dma_start3A_248] : memref<262144xf32, #tpu.memory_space<vmem_shared>> -> memref<262144xf32, #tpu.memory_space<vmem_shared>>
      tpu.enqueue_indirect_dma source(%dma_start3A_244 : memref<128xf32, #tpu.memory_space<vmem>>) target(%dma_start3A_249 : memref<262144xf32, #tpu.memory_space<vmem_shared>>) offsets(%dma_start3A_247 : memref<128xi32, #tpu.memory_space<vmem>>) semaphore(%run_scoped3A_241 : memref<!tpu.dma_semaphore, #tpu.memory_space<semaphore_mem>>) {add = true}
      %dma_wait3A_250 = arith.constant 0 : i32
      %dma_wait3A_251 = tpu.memref_slice %arg7[%run_scoped3A_207, %run_scoped3A_208, %dma_wait3A_250] : memref<2x8x128xf32, #tpu.memory_space<vmem>> -> memref<1x1x128xf32, #tpu.memory_space<vmem>>
      %dma_wait3A_252 = tpu.memref_squeeze %dma_wait3A_251 : memref<1x1x128xf32, #tpu.memory_space<vmem>> -> memref<128xf32, #tpu.memory_space<vmem>>
      %dma_wait3A_253 = arith.constant 0 : i32
      %dma_wait3A_254 = tpu.memref_slice %arg6[%run_scoped3A_209, %run_scoped3A_210, %dma_wait3A_253] : memref<2x8x128xi32, #tpu.memory_space<vmem>> -> memref<1x1x128xi32, #tpu.memory_space<vmem>>
      %dma_wait3A_255 = tpu.memref_squeeze %dma_wait3A_254 : memref<1x1x128xi32, #tpu.memory_space<vmem>> -> memref<128xi32, #tpu.memory_space<vmem>>
      %dma_wait3A_256 = arith.constant 0 : i32
      %dma_wait3A_257 = tpu.memref_slice %arg9[%dma_wait3A_256] : memref<262144xf32, #tpu.memory_space<vmem_shared>> -> memref<262144xf32, #tpu.memory_space<vmem_shared>>
      tpu.wait_indirect_dma semaphore(%run_scoped3A_241 : memref<!tpu.dma_semaphore, #tpu.memory_space<semaphore_mem>>) src(%dma_wait3A_252 : memref<128xf32, #tpu.memory_space<vmem>>) dst(%dma_wait3A_257 : memref<262144xf32, #tpu.memory_space<vmem_shared>>)
      tpu.yield
    }) : () -> ()
    %run_scoped3A_211 = arith.constant 1 : i32
    %run_scoped3A_212 = arith.constant 4 : i32
    %run_scoped3A_213 = arith.constant 1 : i32
    %run_scoped3A_214 = arith.constant 4 : i32
    "tpu.region"() ({
      %run_scoped3A_241 = tpu.sem_alloc : memref<!tpu.dma_semaphore, #tpu.memory_space<semaphore_mem>>
      %dma_start3A_242 = arith.constant 0 : i32
      %dma_start3A_243 = tpu.memref_slice %arg7[%run_scoped3A_211, %run_scoped3A_212, %dma_start3A_242] : memref<2x8x128xf32, #tpu.memory_space<vmem>> -> memref<1x1x128xf32, #tpu.memory_space<vmem>>
      %dma_start3A_244 = tpu.memref_squeeze %dma_start3A_243 : memref<1x1x128xf32, #tpu.memory_space<vmem>> -> memref<128xf32, #tpu.memory_space<vmem>>
      %dma_start3A_245 = arith.constant 0 : i32
      %dma_start3A_246 = tpu.memref_slice %arg6[%run_scoped3A_213, %run_scoped3A_214, %dma_start3A_245] : memref<2x8x128xi32, #tpu.memory_space<vmem>> -> memref<1x1x128xi32, #tpu.memory_space<vmem>>
      %dma_start3A_247 = tpu.memref_squeeze %dma_start3A_246 : memref<1x1x128xi32, #tpu.memory_space<vmem>> -> memref<128xi32, #tpu.memory_space<vmem>>
      %dma_start3A_248 = arith.constant 0 : i32
      %dma_start3A_249 = tpu.memref_slice %arg9[%dma_start3A_248] : memref<262144xf32, #tpu.memory_space<vmem_shared>> -> memref<262144xf32, #tpu.memory_space<vmem_shared>>
      tpu.enqueue_indirect_dma source(%dma_start3A_244 : memref<128xf32, #tpu.memory_space<vmem>>) target(%dma_start3A_249 : memref<262144xf32, #tpu.memory_space<vmem_shared>>) offsets(%dma_start3A_247 : memref<128xi32, #tpu.memory_space<vmem>>) semaphore(%run_scoped3A_241 : memref<!tpu.dma_semaphore, #tpu.memory_space<semaphore_mem>>) {add = true}
      %dma_wait3A_250 = arith.constant 0 : i32
      %dma_wait3A_251 = tpu.memref_slice %arg7[%run_scoped3A_211, %run_scoped3A_212, %dma_wait3A_250] : memref<2x8x128xf32, #tpu.memory_space<vmem>> -> memref<1x1x128xf32, #tpu.memory_space<vmem>>
      %dma_wait3A_252 = tpu.memref_squeeze %dma_wait3A_251 : memref<1x1x128xf32, #tpu.memory_space<vmem>> -> memref<128xf32, #tpu.memory_space<vmem>>
      %dma_wait3A_253 = arith.constant 0 : i32
      %dma_wait3A_254 = tpu.memref_slice %arg6[%run_scoped3A_213, %run_scoped3A_214, %dma_wait3A_253] : memref<2x8x128xi32, #tpu.memory_space<vmem>> -> memref<1x1x128xi32, #tpu.memory_space<vmem>>
      %dma_wait3A_255 = tpu.memref_squeeze %dma_wait3A_254 : memref<1x1x128xi32, #tpu.memory_space<vmem>> -> memref<128xi32, #tpu.memory_space<vmem>>
      %dma_wait3A_256 = arith.constant 0 : i32
      %dma_wait3A_257 = tpu.memref_slice %arg9[%dma_wait3A_256] : memref<262144xf32, #tpu.memory_space<vmem_shared>> -> memref<262144xf32, #tpu.memory_space<vmem_shared>>
      tpu.wait_indirect_dma semaphore(%run_scoped3A_241 : memref<!tpu.dma_semaphore, #tpu.memory_space<semaphore_mem>>) src(%dma_wait3A_252 : memref<128xf32, #tpu.memory_space<vmem>>) dst(%dma_wait3A_257 : memref<262144xf32, #tpu.memory_space<vmem_shared>>)
      tpu.yield
    }) : () -> ()
    %run_scoped3A_215 = arith.constant 1 : i32
    %run_scoped3A_216 = arith.constant 5 : i32
    %run_scoped3A_217 = arith.constant 1 : i32
    %run_scoped3A_218 = arith.constant 5 : i32
    "tpu.region"() ({
      %run_scoped3A_241 = tpu.sem_alloc : memref<!tpu.dma_semaphore, #tpu.memory_space<semaphore_mem>>
      %dma_start3A_242 = arith.constant 0 : i32
      %dma_start3A_243 = tpu.memref_slice %arg7[%run_scoped3A_215, %run_scoped3A_216, %dma_start3A_242] : memref<2x8x128xf32, #tpu.memory_space<vmem>> -> memref<1x1x128xf32, #tpu.memory_space<vmem>>
      %dma_start3A_244 = tpu.memref_squeeze %dma_start3A_243 : memref<1x1x128xf32, #tpu.memory_space<vmem>> -> memref<128xf32, #tpu.memory_space<vmem>>
      %dma_start3A_245 = arith.constant 0 : i32
      %dma_start3A_246 = tpu.memref_slice %arg6[%run_scoped3A_217, %run_scoped3A_218, %dma_start3A_245] : memref<2x8x128xi32, #tpu.memory_space<vmem>> -> memref<1x1x128xi32, #tpu.memory_space<vmem>>
      %dma_start3A_247 = tpu.memref_squeeze %dma_start3A_246 : memref<1x1x128xi32, #tpu.memory_space<vmem>> -> memref<128xi32, #tpu.memory_space<vmem>>
      %dma_start3A_248 = arith.constant 0 : i32
      %dma_start3A_249 = tpu.memref_slice %arg9[%dma_start3A_248] : memref<262144xf32, #tpu.memory_space<vmem_shared>> -> memref<262144xf32, #tpu.memory_space<vmem_shared>>
      tpu.enqueue_indirect_dma source(%dma_start3A_244 : memref<128xf32, #tpu.memory_space<vmem>>) target(%dma_start3A_249 : memref<262144xf32, #tpu.memory_space<vmem_shared>>) offsets(%dma_start3A_247 : memref<128xi32, #tpu.memory_space<vmem>>) semaphore(%run_scoped3A_241 : memref<!tpu.dma_semaphore, #tpu.memory_space<semaphore_mem>>) {add = true}
      %dma_wait3A_250 = arith.constant 0 : i32
      %dma_wait3A_251 = tpu.memref_slice %arg7[%run_scoped3A_215, %run_scoped3A_216, %dma_wait3A_250] : memref<2x8x128xf32, #tpu.memory_space<vmem>> -> memref<1x1x128xf32, #tpu.memory_space<vmem>>
      %dma_wait3A_252 = tpu.memref_squeeze %dma_wait3A_251 : memref<1x1x128xf32, #tpu.memory_space<vmem>> -> memref<128xf32, #tpu.memory_space<vmem>>
      %dma_wait3A_253 = arith.constant 0 : i32
      %dma_wait3A_254 = tpu.memref_slice %arg6[%run_scoped3A_217, %run_scoped3A_218, %dma_wait3A_253] : memref<2x8x128xi32, #tpu.memory_space<vmem>> -> memref<1x1x128xi32, #tpu.memory_space<vmem>>
      %dma_wait3A_255 = tpu.memref_squeeze %dma_wait3A_254 : memref<1x1x128xi32, #tpu.memory_space<vmem>> -> memref<128xi32, #tpu.memory_space<vmem>>
      %dma_wait3A_256 = arith.constant 0 : i32
      %dma_wait3A_257 = tpu.memref_slice %arg9[%dma_wait3A_256] : memref<262144xf32, #tpu.memory_space<vmem_shared>> -> memref<262144xf32, #tpu.memory_space<vmem_shared>>
      tpu.wait_indirect_dma semaphore(%run_scoped3A_241 : memref<!tpu.dma_semaphore, #tpu.memory_space<semaphore_mem>>) src(%dma_wait3A_252 : memref<128xf32, #tpu.memory_space<vmem>>) dst(%dma_wait3A_257 : memref<262144xf32, #tpu.memory_space<vmem_shared>>)
      tpu.yield
    }) : () -> ()
    %run_scoped3A_219 = arith.constant 1 : i32
    %run_scoped3A_220 = arith.constant 6 : i32
    %run_scoped3A_221 = arith.constant 1 : i32
    %run_scoped3A_222 = arith.constant 6 : i32
    "tpu.region"() ({
      %run_scoped3A_241 = tpu.sem_alloc : memref<!tpu.dma_semaphore, #tpu.memory_space<semaphore_mem>>
      %dma_start3A_242 = arith.constant 0 : i32
      %dma_start3A_243 = tpu.memref_slice %arg7[%run_scoped3A_219, %run_scoped3A_220, %dma_start3A_242] : memref<2x8x128xf32, #tpu.memory_space<vmem>> -> memref<1x1x128xf32, #tpu.memory_space<vmem>>
      %dma_start3A_244 = tpu.memref_squeeze %dma_start3A_243 : memref<1x1x128xf32, #tpu.memory_space<vmem>> -> memref<128xf32, #tpu.memory_space<vmem>>
      %dma_start3A_245 = arith.constant 0 : i32
      %dma_start3A_246 = tpu.memref_slice %arg6[%run_scoped3A_221, %run_scoped3A_222, %dma_start3A_245] : memref<2x8x128xi32, #tpu.memory_space<vmem>> -> memref<1x1x128xi32, #tpu.memory_space<vmem>>
      %dma_start3A_247 = tpu.memref_squeeze %dma_start3A_246 : memref<1x1x128xi32, #tpu.memory_space<vmem>> -> memref<128xi32, #tpu.memory_space<vmem>>
      %dma_start3A_248 = arith.constant 0 : i32
      %dma_start3A_249 = tpu.memref_slice %arg9[%dma_start3A_248] : memref<262144xf32, #tpu.memory_space<vmem_shared>> -> memref<262144xf32, #tpu.memory_space<vmem_shared>>
      tpu.enqueue_indirect_dma source(%dma_start3A_244 : memref<128xf32, #tpu.memory_space<vmem>>) target(%dma_start3A_249 : memref<262144xf32, #tpu.memory_space<vmem_shared>>) offsets(%dma_start3A_247 : memref<128xi32, #tpu.memory_space<vmem>>) semaphore(%run_scoped3A_241 : memref<!tpu.dma_semaphore, #tpu.memory_space<semaphore_mem>>) {add = true}
      %dma_wait3A_250 = arith.constant 0 : i32
      %dma_wait3A_251 = tpu.memref_slice %arg7[%run_scoped3A_219, %run_scoped3A_220, %dma_wait3A_250] : memref<2x8x128xf32, #tpu.memory_space<vmem>> -> memref<1x1x128xf32, #tpu.memory_space<vmem>>
      %dma_wait3A_252 = tpu.memref_squeeze %dma_wait3A_251 : memref<1x1x128xf32, #tpu.memory_space<vmem>> -> memref<128xf32, #tpu.memory_space<vmem>>
      %dma_wait3A_253 = arith.constant 0 : i32
      %dma_wait3A_254 = tpu.memref_slice %arg6[%run_scoped3A_221, %run_scoped3A_222, %dma_wait3A_253] : memref<2x8x128xi32, #tpu.memory_space<vmem>> -> memref<1x1x128xi32, #tpu.memory_space<vmem>>
      %dma_wait3A_255 = tpu.memref_squeeze %dma_wait3A_254 : memref<1x1x128xi32, #tpu.memory_space<vmem>> -> memref<128xi32, #tpu.memory_space<vmem>>
      %dma_wait3A_256 = arith.constant 0 : i32
      %dma_wait3A_257 = tpu.memref_slice %arg9[%dma_wait3A_256] : memref<262144xf32, #tpu.memory_space<vmem_shared>> -> memref<262144xf32, #tpu.memory_space<vmem_shared>>
      tpu.wait_indirect_dma semaphore(%run_scoped3A_241 : memref<!tpu.dma_semaphore, #tpu.memory_space<semaphore_mem>>) src(%dma_wait3A_252 : memref<128xf32, #tpu.memory_space<vmem>>) dst(%dma_wait3A_257 : memref<262144xf32, #tpu.memory_space<vmem_shared>>)
      tpu.yield
    }) : () -> ()
    %run_scoped3A_223 = arith.constant 1 : i32
    %run_scoped3A_224 = arith.constant 7 : i32
    %run_scoped3A_225 = arith.constant 1 : i32
    %run_scoped3A_226 = arith.constant 7 : i32
    "tpu.region"() ({
      %run_scoped3A_241 = tpu.sem_alloc : memref<!tpu.dma_semaphore, #tpu.memory_space<semaphore_mem>>
      %dma_start3A_242 = arith.constant 0 : i32
      %dma_start3A_243 = tpu.memref_slice %arg7[%run_scoped3A_223, %run_scoped3A_224, %dma_start3A_242] : memref<2x8x128xf32, #tpu.memory_space<vmem>> -> memref<1x1x128xf32, #tpu.memory_space<vmem>>
      %dma_start3A_244 = tpu.memref_squeeze %dma_start3A_243 : memref<1x1x128xf32, #tpu.memory_space<vmem>> -> memref<128xf32, #tpu.memory_space<vmem>>
      %dma_start3A_245 = arith.constant 0 : i32
      %dma_start3A_246 = tpu.memref_slice %arg6[%run_scoped3A_225, %run_scoped3A_226, %dma_start3A_245] : memref<2x8x128xi32, #tpu.memory_space<vmem>> -> memref<1x1x128xi32, #tpu.memory_space<vmem>>
      %dma_start3A_247 = tpu.memref_squeeze %dma_start3A_246 : memref<1x1x128xi32, #tpu.memory_space<vmem>> -> memref<128xi32, #tpu.memory_space<vmem>>
      %dma_start3A_248 = arith.constant 0 : i32
      %dma_start3A_249 = tpu.memref_slice %arg9[%dma_start3A_248] : memref<262144xf32, #tpu.memory_space<vmem_shared>> -> memref<262144xf32, #tpu.memory_space<vmem_shared>>
      tpu.enqueue_indirect_dma source(%dma_start3A_244 : memref<128xf32, #tpu.memory_space<vmem>>) target(%dma_start3A_249 : memref<262144xf32, #tpu.memory_space<vmem_shared>>) offsets(%dma_start3A_247 : memref<128xi32, #tpu.memory_space<vmem>>) semaphore(%run_scoped3A_241 : memref<!tpu.dma_semaphore, #tpu.memory_space<semaphore_mem>>) {add = true}
      %dma_wait3A_250 = arith.constant 0 : i32
      %dma_wait3A_251 = tpu.memref_slice %arg7[%run_scoped3A_223, %run_scoped3A_224, %dma_wait3A_250] : memref<2x8x128xf32, #tpu.memory_space<vmem>> -> memref<1x1x128xf32, #tpu.memory_space<vmem>>
      %dma_wait3A_252 = tpu.memref_squeeze %dma_wait3A_251 : memref<1x1x128xf32, #tpu.memory_space<vmem>> -> memref<128xf32, #tpu.memory_space<vmem>>
      %dma_wait3A_253 = arith.constant 0 : i32
      %dma_wait3A_254 = tpu.memref_slice %arg6[%run_scoped3A_225, %run_scoped3A_226, %dma_wait3A_253] : memref<2x8x128xi32, #tpu.memory_space<vmem>> -> memref<1x1x128xi32, #tpu.memory_space<vmem>>
      %dma_wait3A_255 = tpu.memref_squeeze %dma_wait3A_254 : memref<1x1x128xi32, #tpu.memory_space<vmem>> -> memref<128xi32, #tpu.memory_space<vmem>>
      %dma_wait3A_256 = arith.constant 0 : i32
      %dma_wait3A_257 = tpu.memref_slice %arg9[%dma_wait3A_256] : memref<262144xf32, #tpu.memory_space<vmem_shared>> -> memref<262144xf32, #tpu.memory_space<vmem_shared>>
      tpu.wait_indirect_dma semaphore(%run_scoped3A_241 : memref<!tpu.dma_semaphore, #tpu.memory_space<semaphore_mem>>) src(%dma_wait3A_252 : memref<128xf32, #tpu.memory_space<vmem>>) dst(%dma_wait3A_257 : memref<262144xf32, #tpu.memory_space<vmem_shared>>)
      tpu.yield
    }) : () -> ()
    %barrier3A_227 = arith.constant 0 : index
    tpu.barrier barrier_id(%barrier3A_227)
    %mul3A_228 = arith.constant 16384 : i32
    %mul3A_229 = arith.muli %arg1, %mul3A_228 : i32
    %mul3A_230 = arith.constant 16384 : i32
    %mul3A_231 = arith.muli %arg1, %mul3A_230 : i32
    %dma_start3A_232 = tpu.memref_slice %arg5[%add3A_194, %mul3A_231] : memref<4x262144xf32, #tpu.memory_space<hbm>> -> memref<1x16384xf32, #tpu.memory_space<hbm>>
    %dma_start3A_233 = tpu.memref_squeeze %dma_start3A_232 : memref<1x16384xf32, #tpu.memory_space<hbm>> -> memref<16384xf32, #tpu.memory_space<hbm>>
    %dma_start3A_234 = tpu.memref_slice %arg9[%mul3A_229] : memref<262144xf32, #tpu.memory_space<vmem_shared>> -> memref<16384xf32, #tpu.memory_space<vmem_shared>>
    tpu.enqueue_dma source(%dma_start3A_234 : memref<16384xf32, #tpu.memory_space<vmem_shared>>) target(%dma_start3A_233 : memref<16384xf32, #tpu.memory_space<hbm>>) target_semaphore(%arg11 : memref<!tpu.dma_semaphore, #tpu.memory_space<semaphore_mem>>)
    %dma_wait3A_235 = tpu.memref_slice %arg5[%add3A_151, %mul3A_187] : memref<4x262144xf32, #tpu.memory_space<hbm>> -> memref<1x16384xf32, #tpu.memory_space<hbm>>
    %dma_wait3A_236 = tpu.memref_squeeze %dma_wait3A_235 : memref<1x16384xf32, #tpu.memory_space<hbm>> -> memref<16384xf32, #tpu.memory_space<hbm>>
    %dma_wait3A_237 = tpu.memref_slice %arg8[%mul3A_185] : memref<262144xf32, #tpu.memory_space<vmem_shared>> -> memref<16384xf32, #tpu.memory_space<vmem_shared>>
    tpu.wait_dma2 semaphore(%arg11 : memref<!tpu.dma_semaphore, #tpu.memory_space<semaphore_mem>>) src(%dma_wait3A_237 : memref<16384xf32, #tpu.memory_space<vmem_shared>>) dst(%dma_wait3A_236 : memref<16384xf32, #tpu.memory_space<hbm>>)
    %dma_wait3A_238 = tpu.memref_slice %arg5[%add3A_194, %mul3A_231] : memref<4x262144xf32, #tpu.memory_space<hbm>> -> memref<1x16384xf32, #tpu.memory_space<hbm>>
    %dma_wait3A_239 = tpu.memref_squeeze %dma_wait3A_238 : memref<1x16384xf32, #tpu.memory_space<hbm>> -> memref<16384xf32, #tpu.memory_space<hbm>>
    %dma_wait3A_240 = tpu.memref_slice %arg9[%mul3A_229] : memref<262144xf32, #tpu.memory_space<vmem_shared>> -> memref<16384xf32, #tpu.memory_space<vmem_shared>>
    tpu.wait_dma2 semaphore(%arg11 : memref<!tpu.dma_semaphore, #tpu.memory_space<semaphore_mem>>) src(%dma_wait3A_240 : memref<16384xf32, #tpu.memory_space<vmem_shared>>) dst(%dma_wait3A_239 : memref<16384xf32, #tpu.memory_space<hbm>>)
    return
  }
}

module attributes {stable_mosaic.version = 14 : i64} {
  func.func @_prep_body(%arg0: memref<4x512x512xf32, #tpu.memory_space<vmem>>, %arg1: memref<2x512x128xf32, #tpu.memory_space<vmem>>, %arg2: memref<2x512x128xf32, #tpu.memory_space<vmem>>, %arg3: memref<2x512x128xf32, #tpu.memory_space<vmem>>, %arg4: memref<128x256xf32, #tpu.memory_space<vmem>>, %arg5: memref<1x256xf32, #tpu.memory_space<vmem>>, %arg6: memref<128x256xf32, #tpu.memory_space<vmem>>, %arg7: memref<1x256xf32, #tpu.memory_space<vmem>>, %arg8: memref<128x256xf32, #tpu.memory_space<vmem>>, %arg9: memref<1x256xf32, #tpu.memory_space<vmem>>, %arg10: memref<512x256xf32, #tpu.memory_space<vmem>>, %arg11: memref<1x256xf32, #tpu.memory_space<vmem>>, %arg12: memref<256x128xf32, #tpu.memory_space<vmem>>, %arg13: memref<1x128xf32, #tpu.memory_space<vmem>>, %arg14: memref<256x128xf32, #tpu.memory_space<vmem>>, %arg15: memref<1x128xf32, #tpu.memory_space<vmem>>, %arg16: memref<256x256xf32, #tpu.memory_space<vmem>>, %arg17: memref<1x256xf32, #tpu.memory_space<vmem>>, %arg18: memref<256x128xf32, #tpu.memory_space<vmem>>, %arg19: memref<1x128xf32, #tpu.memory_space<vmem>>, %arg20: memref<256x128xf32, #tpu.memory_space<vmem>>, %arg21: memref<1x128xf32, #tpu.memory_space<vmem>>, %arg22: memref<256x1024xf32, #tpu.memory_space<vmem>>, %arg23: memref<1x1024xf32, #tpu.memory_space<vmem>>, %arg24: memref<1024x64xf32, #tpu.memory_space<vmem>>, %arg25: memref<1x64xf32, #tpu.memory_space<vmem>>, %arg26: memref<256x1024xf32, #tpu.memory_space<vmem>>, %arg27: memref<1x1024xf32, #tpu.memory_space<vmem>>, %arg28: memref<1024x64xf32, #tpu.memory_space<vmem>>, %arg29: memref<1x64xf32, #tpu.memory_space<vmem>>, %arg30: memref<128x256xf32, #tpu.memory_space<vmem>>, %arg31: memref<1x256xf32, #tpu.memory_space<vmem>>, %arg32: memref<512x256xf32, #tpu.memory_space<vmem>>, %arg33: memref<1x256xf32, #tpu.memory_space<vmem>>, %arg34: memref<512x256xf32, #tpu.memory_space<vmem>>, %arg35: memref<1x256xf32, #tpu.memory_space<vmem>>, %arg36: memref<512x256xf32, #tpu.memory_space<vmem>>, %arg37: memref<1x256xf32, #tpu.memory_space<vmem>>, %arg38: memref<256x256xf32, #tpu.memory_space<vmem>>, %arg39: memref<1x256xf32, #tpu.memory_space<vmem>>, %arg40: memref<256x256xf32, #tpu.memory_space<vmem>>, %arg41: memref<1x256xf32, #tpu.memory_space<vmem>>, %arg42: memref<256x256xf32, #tpu.memory_space<vmem>>, %arg43: memref<1x256xf32, #tpu.memory_space<vmem>>, %arg44: memref<1x1xf32, #tpu.memory_space<vmem>>, %arg45: memref<1x1xf32, #tpu.memory_space<vmem>>, %arg46: memref<1x1xf32, #tpu.memory_space<vmem>>, %arg47: memref<1x1xf32, #tpu.memory_space<vmem>>, %arg48: memref<256x256xf32, #tpu.memory_space<vmem>>, %arg49: memref<1x256xf32, #tpu.memory_space<vmem>>, %arg50: memref<1x1xf32, #tpu.memory_space<vmem>>, %arg51: memref<2x512x256xf32, #tpu.memory_space<vmem>>, %arg52: memref<2x512x256xf32, #tpu.memory_space<vmem>>, %arg53: memref<2x512x256xf32, #tpu.memory_space<vmem>>, %arg54: memref<2x512x256xf32, #tpu.memory_space<vmem>>, %arg55: memref<256x256xf32, #tpu.memory_space<vmem>>) attributes {dimension_semantics = [], scalar_prefetch = 0 : i64, scratch_operands = 0 : i64, tpu.core_type = #tpu.core_type<tc>} {
    %iota3A = tpu.iota {dimensions = array<i32: 0>} : vector<512x512xi32>
    %iota3A_0 = tpu.iota {dimensions = array<i32: 1>} : vector<512x512xi32>
    %eq3A = arith.cmpi eq, %iota3A, %iota3A_0 : vector<512x512xi32>
    %convert_element_type3A = arith.extui %eq3A : vector<512x512xi1> to vector<512x512xi32>
    %convert_element_type3A_1 = arith.sitofp %convert_element_type3A : vector<512x512xi32> to vector<512x512xf32>
    %get3A = arith.constant 0 : index
    %get3A_2 = arith.constant 0 : index
    %get3A_3 = vector.load %arg50[%get3A, %get3A_2] : memref<1x1xf32, #tpu.memory_space<vmem>>, vector<1x1xf32>
    %get3A_4 = vector.extract %get3A_3[0, 0] : f32 from vector<1x1xf32>
    %sub3A = arith.constant 1.000000e+00 : f32
    %sub3A_5 = arith.subf %sub3A, %get3A_4 : f32
    %get3A_6 = arith.constant 0 : index
    %get3A_7 = arith.constant 0 : index
    %get3A_8 = vector.load %arg48[%get3A_6, %get3A_7] : memref<256x256xf32, #tpu.memory_space<vmem>>, vector<256x256xf32>
    %mul3A = vector.broadcast %sub3A_5 : f32 to vector<256x256xf32>
    %mul3A_9 = arith.mulf %mul3A, %get3A_8 : vector<256x256xf32>
    %swap3A = arith.constant 0 : index
    %swap3A_10 = arith.constant 0 : index
    %swap3A_11 = vector.load %arg55[%swap3A, %swap3A_10] : memref<256x256xf32, #tpu.memory_space<vmem>>, vector<256x256xf32>
    tpu.vector_store %arg55[%swap3A, %swap3A_10], %mul3A_9 {strides = array<i32>} : memref<256x256xf32, #tpu.memory_space<vmem>>, vector<256x256xf32>,
    %broadcast_in_dim3A = arith.constant 0.000000e+00 : f32
    %broadcast_in_dim3A_12 = vector.broadcast %broadcast_in_dim3A : f32 to vector<512x256xf32>
    %get3A_13 = arith.constant 0 : index
    %get3A_14 = arith.constant 0 : index
    %get3A_15 = arith.constant 0 : index
    %get3A_16 = vector.load %arg0[%get3A_13, %get3A_14, %get3A_15] : memref<4x512x512xf32, #tpu.memory_space<vmem>>, vector<1x512x512xf32>
    %get3A_17 = vector.shape_cast %get3A_16 : vector<1x512x512xf32> to vector<512x512xf32>
    %reduce_sum3A = arith.constant dense<0.000000e+00> : vector<512xf32>
    %reduce_sum3A_18 = vector.multi_reduction <add>, %get3A_17, %reduce_sum3A [1] : vector<512x512xf32> to vector<512xf32>
    %add3A = arith.constant 1.000000e+00 : f32
    %add3A_19 = vector.broadcast %add3A : f32 to vector<512xf32>
    %add3A_20 = arith.addf %reduce_sum3A_18, %add3A_19 : vector<512xf32>
    %rsqrt3A = math.rsqrt %add3A_20 : vector<512xf32>
    %add3A_21 = arith.addf %get3A_17, %convert_element_type3A_1 : vector<512x512xf32>
    %broadcast_in_dim3A_22 = vector.shape_cast %rsqrt3A : vector<512xf32> to vector<512x1xf32>
    %mul3A_23 = vector.broadcast %broadcast_in_dim3A_22 : vector<512x1xf32> to vector<512x512xf32>
    %mul3A_24 = arith.mulf %add3A_21, %mul3A_23 : vector<512x512xf32>
    %broadcast_in_dim3A_25 = vector.shape_cast %rsqrt3A : vector<512xf32> to vector<1x512xf32>
    %mul3A_26 = vector.broadcast %broadcast_in_dim3A_25 : vector<1x512xf32> to vector<512x512xf32>
    %mul3A_27 = arith.mulf %mul3A_24, %mul3A_26 : vector<512x512xf32>
    %get3A_28 = arith.constant 1 : index
    %get3A_29 = arith.constant 0 : index
    %get3A_30 = arith.constant 0 : index
    %get3A_31 = vector.load %arg0[%get3A_28, %get3A_29, %get3A_30] : memref<4x512x512xf32, #tpu.memory_space<vmem>>, vector<1x512x512xf32>
    %get3A_32 = vector.shape_cast %get3A_31 : vector<1x512x512xf32> to vector<512x512xf32>
    %reduce_sum3A_33 = arith.constant dense<0.000000e+00> : vector<512xf32>
    %reduce_sum3A_34 = vector.multi_reduction <add>, %get3A_32, %reduce_sum3A_33 [1] : vector<512x512xf32> to vector<512xf32>
    %add3A_35 = arith.constant 1.000000e+00 : f32
    %add3A_36 = vector.broadcast %add3A_35 : f32 to vector<512xf32>
    %add3A_37 = arith.addf %reduce_sum3A_34, %add3A_36 : vector<512xf32>
    %rsqrt3A_38 = math.rsqrt %add3A_37 : vector<512xf32>
    %add3A_39 = arith.addf %get3A_32, %convert_element_type3A_1 : vector<512x512xf32>
    %broadcast_in_dim3A_40 = vector.shape_cast %rsqrt3A_38 : vector<512xf32> to vector<512x1xf32>
    %mul3A_41 = vector.broadcast %broadcast_in_dim3A_40 : vector<512x1xf32> to vector<512x512xf32>
    %mul3A_42 = arith.mulf %add3A_39, %mul3A_41 : vector<512x512xf32>
    %broadcast_in_dim3A_43 = vector.shape_cast %rsqrt3A_38 : vector<512xf32> to vector<1x512xf32>
    %mul3A_44 = vector.broadcast %broadcast_in_dim3A_43 : vector<1x512xf32> to vector<512x512xf32>
    %mul3A_45 = arith.mulf %mul3A_42, %mul3A_44 : vector<512x512xf32>
    %get3A_46 = arith.constant 0 : index
    %get3A_47 = arith.constant 0 : index
    %get3A_48 = arith.constant 0 : index
    %get3A_49 = vector.load %arg1[%get3A_46, %get3A_47, %get3A_48] : memref<2x512x128xf32, #tpu.memory_space<vmem>>, vector<1x512x128xf32>
    %get3A_50 = vector.shape_cast %get3A_49 : vector<1x512x128xf32> to vector<512x128xf32>
    %get3A_51 = arith.constant 0 : index
    %get3A_52 = arith.constant 0 : index
    %get3A_53 = vector.load %arg4[%get3A_51, %get3A_52] : memref<128x256xf32, #tpu.memory_space<vmem>>, vector<128x256xf32>
    %dot_general3A = arith.constant dense<0.000000e+00> : vector<512x256xf32>
    %dot_general3A_54 = tpu.matmul %get3A_50, %get3A_53, %dot_general3A {dimension_numbers = #tpu.dot_dimension_numbers<[1], [0], [0], [1], [0, 0, 1, 1], [], []>, transpose_lhs_hint = false} : vector<512x128xf32>, vector<128x256xf32>, vector<512x256xf32> -> vector<512x256xf32>
    %get3A_55 = arith.constant 0 : index
    %get3A_56 = arith.constant 0 : index
    %get3A_57 = vector.load %arg5[%get3A_55, %get3A_56] : memref<1x256xf32, #tpu.memory_space<vmem>>, vector<1x256xf32>
    %add3A_58 = vector.broadcast %get3A_57 : vector<1x256xf32> to vector<512x256xf32>
    %add3A_59 = arith.addf %dot_general3A_54, %add3A_58 : vector<512x256xf32>
    %max3A = arith.constant 0.000000e+00 : f32
    %max3A_60 = vector.broadcast %max3A : f32 to vector<512x256xf32>
    %max3A_61 = arith.maximumf %add3A_59, %max3A_60 : vector<512x256xf32>
    %get3A_62 = arith.constant 0 : index
    %get3A_63 = arith.constant 0 : index
    %get3A_64 = vector.load %arg6[%get3A_62, %get3A_63] : memref<128x256xf32, #tpu.memory_space<vmem>>, vector<128x256xf32>
    %dot_general3A_65 = arith.constant dense<0.000000e+00> : vector<512x256xf32>
    %dot_general3A_66 = tpu.matmul %get3A_50, %get3A_64, %dot_general3A_65 {dimension_numbers = #tpu.dot_dimension_numbers<[1], [0], [0], [1], [0, 0, 1, 1], [], []>, transpose_lhs_hint = false} : vector<512x128xf32>, vector<128x256xf32>, vector<512x256xf32> -> vector<512x256xf32>
    %get3A_67 = arith.constant 0 : index
    %get3A_68 = arith.constant 0 : index
    %get3A_69 = vector.load %arg7[%get3A_67, %get3A_68] : memref<1x256xf32, #tpu.memory_space<vmem>>, vector<1x256xf32>
    %add3A_70 = vector.broadcast %get3A_69 : vector<1x256xf32> to vector<512x256xf32>
    %add3A_71 = arith.addf %dot_general3A_66, %add3A_70 : vector<512x256xf32>
    %max3A_72 = arith.constant 0.000000e+00 : f32
    %max3A_73 = vector.broadcast %max3A_72 : f32 to vector<512x256xf32>
    %max3A_74 = arith.maximumf %add3A_71, %max3A_73 : vector<512x256xf32>
    %concatenate3A = tpu.concatenate %max3A_61, %broadcast_in_dim3A_12 in 1 : vector<512x256xf32>, vector<512x256xf32> -> vector<512x512xf32>
    %get3A_75 = arith.constant 0 : index
    %get3A_76 = arith.constant 0 : index
    %get3A_77 = vector.load %arg10[%get3A_75, %get3A_76] : memref<512x256xf32, #tpu.memory_space<vmem>>, vector<512x256xf32>
    %dot_general3A_78 = arith.constant dense<0.000000e+00> : vector<512x256xf32>
    %dot_general3A_79 = tpu.matmul %concatenate3A, %get3A_77, %dot_general3A_78 {dimension_numbers = #tpu.dot_dimension_numbers<[1], [0], [0], [1], [0, 0, 1, 1], [], []>, transpose_lhs_hint = false} : vector<512x512xf32>, vector<512x256xf32>, vector<512x256xf32> -> vector<512x256xf32>
    %dot_general3A_80 = arith.constant dense<0.000000e+00> : vector<512x256xf32>
    %dot_general3A_81 = tpu.matmul %mul3A_27, %dot_general3A_79, %dot_general3A_80 {dimension_numbers = #tpu.dot_dimension_numbers<[1], [0], [0], [1], [0, 0, 1, 1], [], []>, transpose_lhs_hint = false} : vector<512x512xf32>, vector<512x256xf32>, vector<512x256xf32> -> vector<512x256xf32>
    %get3A_82 = arith.constant 0 : index
    %get3A_83 = arith.constant 0 : index
    %get3A_84 = vector.load %arg11[%get3A_82, %get3A_83] : memref<1x256xf32, #tpu.memory_space<vmem>>, vector<1x256xf32>
    %add3A_85 = vector.broadcast %get3A_84 : vector<1x256xf32> to vector<512x256xf32>
    %add3A_86 = arith.addf %dot_general3A_81, %add3A_85 : vector<512x256xf32>
    %max3A_87 = arith.constant 0.000000e+00 : f32
    %max3A_88 = vector.broadcast %max3A_87 : f32 to vector<512x256xf32>
    %max3A_89 = arith.maximumf %add3A_86, %max3A_88 : vector<512x256xf32>
    %get3A_90 = arith.constant 0 : index
    %get3A_91 = arith.constant 0 : index
    %get3A_92 = vector.load %arg12[%get3A_90, %get3A_91] : memref<256x128xf32, #tpu.memory_space<vmem>>, vector<256x128xf32>
    %dot_general3A_93 = arith.constant dense<0.000000e+00> : vector<512x128xf32>
    %dot_general3A_94 = tpu.matmul %max3A_89, %get3A_92, %dot_general3A_93 {dimension_numbers = #tpu.dot_dimension_numbers<[1], [0], [0], [1], [0, 0, 1, 1], [], []>, transpose_lhs_hint = false} : vector<512x256xf32>, vector<256x128xf32>, vector<512x128xf32> -> vector<512x128xf32>
    %get3A_95 = arith.constant 0 : index
    %get3A_96 = arith.constant 0 : index
    %get3A_97 = vector.load %arg14[%get3A_95, %get3A_96] : memref<256x128xf32, #tpu.memory_space<vmem>>, vector<256x128xf32>
    %dot_general3A_98 = arith.constant dense<0.000000e+00> : vector<512x128xf32>
    %dot_general3A_99 = tpu.matmul %max3A_89, %get3A_97, %dot_general3A_98 {dimension_numbers = #tpu.dot_dimension_numbers<[1], [0], [0], [1], [0, 0, 1, 1], [], []>, transpose_lhs_hint = false} : vector<512x256xf32>, vector<256x128xf32>, vector<512x128xf32> -> vector<512x128xf32>
    %concatenate3A_100 = tpu.concatenate %dot_general3A_94, %dot_general3A_99 in 1 : vector<512x128xf32>, vector<512x128xf32> -> vector<512x256xf32>
    %dot_general3A_101 = arith.constant dense<0.000000e+00> : vector<512x256xf32>
    %dot_general3A_102 = tpu.matmul %mul3A_27, %concatenate3A_100, %dot_general3A_101 {dimension_numbers = #tpu.dot_dimension_numbers<[1], [0], [0], [1], [0, 0, 1, 1], [], []>, transpose_lhs_hint = false} : vector<512x512xf32>, vector<512x256xf32>, vector<512x256xf32> -> vector<512x256xf32>
    %slice3A = vector.extract_strided_slice %dot_general3A_102 {offsets = [0, 0], sizes = [512, 128], strides = [1, 1]} : vector<512x256xf32> to vector<512x128xf32>
    %get3A_103 = arith.constant 0 : index
    %get3A_104 = arith.constant 0 : index
    %get3A_105 = vector.load %arg13[%get3A_103, %get3A_104] : memref<1x128xf32, #tpu.memory_space<vmem>>, vector<1x128xf32>
    %add3A_106 = vector.broadcast %get3A_105 : vector<1x128xf32> to vector<512x128xf32>
    %add3A_107 = arith.addf %slice3A, %add3A_106 : vector<512x128xf32>
    %slice3A_108 = vector.extract_strided_slice %dot_general3A_102 {offsets = [0, 128], sizes = [512, 128], strides = [1, 1]} : vector<512x256xf32> to vector<512x128xf32>
    %get3A_109 = arith.constant 0 : index
    %get3A_110 = arith.constant 0 : index
    %get3A_111 = vector.load %arg15[%get3A_109, %get3A_110] : memref<1x128xf32, #tpu.memory_space<vmem>>, vector<1x128xf32>
    %add3A_112 = vector.broadcast %get3A_111 : vector<1x128xf32> to vector<512x128xf32>
    %add3A_113 = arith.addf %slice3A_108, %add3A_112 : vector<512x128xf32>
    %abs3A = math.absf %add3A_113 : vector<512x128xf32>
    %neg3A = arith.constant 0.000000e+00 : f32
    %neg3A_114 = vector.broadcast %neg3A : f32 to vector<512x128xf32>
    %neg3A_115 = arith.subf %neg3A_114, %abs3A : vector<512x128xf32>
    %exp3A = math.exp %neg3A_115 : vector<512x128xf32>
    %log1p3A = math.log1p %exp3A : vector<512x128xf32>
    %max3A_116 = arith.constant 0.000000e+00 : f32
    %max3A_117 = vector.broadcast %max3A_116 : f32 to vector<512x128xf32>
    %max3A_118 = arith.maximumf %add3A_113, %max3A_117 : vector<512x128xf32>
    %add3A_119 = arith.addf %log1p3A, %max3A_118 : vector<512x128xf32>
    %get3A_120 = arith.constant 0 : index
    %get3A_121 = arith.constant 0 : index
    %get3A_122 = vector.load %arg16[%get3A_120, %get3A_121] : memref<256x256xf32, #tpu.memory_space<vmem>>, vector<256x256xf32>
    %dot_general3A_123 = arith.constant dense<0.000000e+00> : vector<512x256xf32>
    %dot_general3A_124 = tpu.matmul %max3A_74, %get3A_122, %dot_general3A_123 {dimension_numbers = #tpu.dot_dimension_numbers<[1], [0], [0], [1], [0, 0, 1, 1], [], []>, transpose_lhs_hint = false} : vector<512x256xf32>, vector<256x256xf32>, vector<512x256xf32> -> vector<512x256xf32>
    %dot_general3A_125 = arith.constant dense<0.000000e+00> : vector<512x256xf32>
    %dot_general3A_126 = tpu.matmul %mul3A_45, %dot_general3A_124, %dot_general3A_125 {dimension_numbers = #tpu.dot_dimension_numbers<[1], [0], [0], [1], [0, 0, 1, 1], [], []>, transpose_lhs_hint = false} : vector<512x512xf32>, vector<512x256xf32>, vector<512x256xf32> -> vector<512x256xf32>
    %get3A_127 = arith.constant 0 : index
    %get3A_128 = arith.constant 0 : index
    %get3A_129 = vector.load %arg17[%get3A_127, %get3A_128] : memref<1x256xf32, #tpu.memory_space<vmem>>, vector<1x256xf32>
    %add3A_130 = vector.broadcast %get3A_129 : vector<1x256xf32> to vector<512x256xf32>
    %add3A_131 = arith.addf %dot_general3A_126, %add3A_130 : vector<512x256xf32>
    %max3A_132 = arith.constant 0.000000e+00 : f32
    %max3A_133 = vector.broadcast %max3A_132 : f32 to vector<512x256xf32>
    %max3A_134 = arith.maximumf %add3A_131, %max3A_133 : vector<512x256xf32>
    %get3A_135 = arith.constant 0 : index
    %get3A_136 = arith.constant 0 : index
    %get3A_137 = vector.load %arg18[%get3A_135, %get3A_136] : memref<256x128xf32, #tpu.memory_space<vmem>>, vector<256x128xf32>
    %dot_general3A_138 = arith.constant dense<0.000000e+00> : vector<512x128xf32>
    %dot_general3A_139 = tpu.matmul %max3A_134, %get3A_137, %dot_general3A_138 {dimension_numbers = #tpu.dot_dimension_numbers<[1], [0], [0], [1], [0, 0, 1, 1], [], []>, transpose_lhs_hint = false} : vector<512x256xf32>, vector<256x128xf32>, vector<512x128xf32> -> vector<512x128xf32>
    %get3A_140 = arith.constant 0 : index
    %get3A_141 = arith.constant 0 : index
    %get3A_142 = vector.load %arg20[%get3A_140, %get3A_141] : memref<256x128xf32, #tpu.memory_space<vmem>>, vector<256x128xf32>
    %dot_general3A_143 = arith.constant dense<0.000000e+00> : vector<512x128xf32>
    %dot_general3A_144 = tpu.matmul %max3A_134, %get3A_142, %dot_general3A_143 {dimension_numbers = #tpu.dot_dimension_numbers<[1], [0], [0], [1], [0, 0, 1, 1], [], []>, transpose_lhs_hint = false} : vector<512x256xf32>, vector<256x128xf32>, vector<512x128xf32> -> vector<512x128xf32>
    %concatenate3A_145 = tpu.concatenate %dot_general3A_139, %dot_general3A_144 in 1 : vector<512x128xf32>, vector<512x128xf32> -> vector<512x256xf32>
    %dot_general3A_146 = arith.constant dense<0.000000e+00> : vector<512x256xf32>
    %dot_general3A_147 = tpu.matmul %mul3A_45, %concatenate3A_145, %dot_general3A_146 {dimension_numbers = #tpu.dot_dimension_numbers<[1], [0], [0], [1], [0, 0, 1, 1], [], []>, transpose_lhs_hint = false} : vector<512x512xf32>, vector<512x256xf32>, vector<512x256xf32> -> vector<512x256xf32>
    %slice3A_148 = vector.extract_strided_slice %dot_general3A_147 {offsets = [0, 0], sizes = [512, 128], strides = [1, 1]} : vector<512x256xf32> to vector<512x128xf32>
    %get3A_149 = arith.constant 0 : index
    %get3A_150 = arith.constant 0 : index
    %get3A_151 = vector.load %arg19[%get3A_149, %get3A_150] : memref<1x128xf32, #tpu.memory_space<vmem>>, vector<1x128xf32>
    %add3A_152 = vector.broadcast %get3A_151 : vector<1x128xf32> to vector<512x128xf32>
    %add3A_153 = arith.addf %slice3A_148, %add3A_152 : vector<512x128xf32>
    %slice3A_154 = vector.extract_strided_slice %dot_general3A_147 {offsets = [0, 128], sizes = [512, 128], strides = [1, 1]} : vector<512x256xf32> to vector<512x128xf32>
    %get3A_155 = arith.constant 0 : index
    %get3A_156 = arith.constant 0 : index
    %get3A_157 = vector.load %arg21[%get3A_155, %get3A_156] : memref<1x128xf32, #tpu.memory_space<vmem>>, vector<1x128xf32>
    %add3A_158 = vector.broadcast %get3A_157 : vector<1x128xf32> to vector<512x128xf32>
    %add3A_159 = arith.addf %slice3A_154, %add3A_158 : vector<512x128xf32>
    %abs3A_160 = math.absf %add3A_159 : vector<512x128xf32>
    %neg3A_161 = arith.constant 0.000000e+00 : f32
    %neg3A_162 = vector.broadcast %neg3A_161 : f32 to vector<512x128xf32>
    %neg3A_163 = arith.subf %neg3A_162, %abs3A_160 : vector<512x128xf32>
    %exp3A_164 = math.exp %neg3A_163 : vector<512x128xf32>
    %log1p3A_165 = math.log1p %exp3A_164 : vector<512x128xf32>
    %max3A_166 = arith.constant 0.000000e+00 : f32
    %max3A_167 = vector.broadcast %max3A_166 : f32 to vector<512x128xf32>
    %max3A_168 = arith.maximumf %add3A_159, %max3A_167 : vector<512x128xf32>
    %add3A_169 = arith.addf %log1p3A_165, %max3A_168 : vector<512x128xf32>
    %get3A_170 = arith.constant 0 : index
    %get3A_171 = arith.constant 0 : index
    %get3A_172 = arith.constant 0 : index
    %get3A_173 = vector.load %arg2[%get3A_170, %get3A_171, %get3A_172] : memref<2x512x128xf32, #tpu.memory_space<vmem>>, vector<1x512x128xf32>
    %get3A_174 = vector.shape_cast %get3A_173 : vector<1x512x128xf32> to vector<512x128xf32>
    %mul3A_175 = arith.mulf %add3A_119, %get3A_174 : vector<512x128xf32>
    %add3A_176 = arith.addf %add3A_107, %mul3A_175 : vector<512x128xf32>
    %get3A_177 = arith.constant 0 : index
    %get3A_178 = arith.constant 0 : index
    %get3A_179 = arith.constant 0 : index
    %get3A_180 = vector.load %arg3[%get3A_177, %get3A_178, %get3A_179] : memref<2x512x128xf32, #tpu.memory_space<vmem>>, vector<1x512x128xf32>
    %get3A_181 = vector.shape_cast %get3A_180 : vector<1x512x128xf32> to vector<512x128xf32>
    %mul3A_182 = arith.mulf %add3A_169, %get3A_181 : vector<512x128xf32>
    %add3A_183 = arith.addf %add3A_153, %mul3A_182 : vector<512x128xf32>
    %get3A_184 = arith.constant 0 : index
    %get3A_185 = arith.constant 0 : index
    %get3A_186 = vector.load %arg8[%get3A_184, %get3A_185] : memref<128x256xf32, #tpu.memory_space<vmem>>, vector<128x256xf32>
    %dot_general3A_187 = arith.constant dense<0.000000e+00> : vector<512x256xf32>
    %dot_general3A_188 = tpu.matmul %add3A_176, %get3A_186, %dot_general3A_187 {dimension_numbers = #tpu.dot_dimension_numbers<[1], [0], [0], [1], [0, 0, 1, 1], [], []>, transpose_lhs_hint = false} : vector<512x128xf32>, vector<128x256xf32>, vector<512x256xf32> -> vector<512x256xf32>
    %get3A_189 = arith.constant 0 : index
    %get3A_190 = arith.constant 0 : index
    %get3A_191 = vector.load %arg9[%get3A_189, %get3A_190] : memref<1x256xf32, #tpu.memory_space<vmem>>, vector<1x256xf32>
    %add3A_192 = vector.broadcast %get3A_191 : vector<1x256xf32> to vector<512x256xf32>
    %add3A_193 = arith.addf %dot_general3A_188, %add3A_192 : vector<512x256xf32>
    %max3A_194 = arith.constant 0.000000e+00 : f32
    %max3A_195 = vector.broadcast %max3A_194 : f32 to vector<512x256xf32>
    %max3A_196 = arith.maximumf %add3A_193, %max3A_195 : vector<512x256xf32>
    %concatenate3A_197 = tpu.concatenate %add3A_176, %add3A_183 in 1 : vector<512x128xf32>, vector<512x128xf32> -> vector<512x256xf32>
    %get3A_198 = arith.constant 0 : index
    %get3A_199 = arith.constant 0 : index
    %get3A_200 = vector.load %arg22[%get3A_198, %get3A_199] : memref<256x1024xf32, #tpu.memory_space<vmem>>, vector<256x1024xf32>
    %dot_general3A_201 = arith.constant dense<0.000000e+00> : vector<512x1024xf32>
    %dot_general3A_202 = tpu.matmul %concatenate3A_197, %get3A_200, %dot_general3A_201 {dimension_numbers = #tpu.dot_dimension_numbers<[1], [0], [0], [1], [0, 0, 1, 1], [], []>, transpose_lhs_hint = false} : vector<512x256xf32>, vector<256x1024xf32>, vector<512x1024xf32> -> vector<512x1024xf32>
    %get3A_203 = arith.constant 0 : index
    %get3A_204 = arith.constant 0 : index
    %get3A_205 = vector.load %arg23[%get3A_203, %get3A_204] : memref<1x1024xf32, #tpu.memory_space<vmem>>, vector<1x1024xf32>
    %add3A_206 = vector.broadcast %get3A_205 : vector<1x1024xf32> to vector<512x1024xf32>
    %add3A_207 = arith.addf %dot_general3A_202, %add3A_206 : vector<512x1024xf32>
    %get3A_208 = arith.constant 0 : index
    %get3A_209 = arith.constant 0 : index
    %get3A_210 = vector.load %arg44[%get3A_208, %get3A_209] : memref<1x1xf32, #tpu.memory_space<vmem>>, vector<1x1xf32>
    %get3A_211 = vector.extract %get3A_210[0, 0] : f32 from vector<1x1xf32>
    %ge3A = arith.constant 0.000000e+00 : f32
    %ge3A_212 = vector.broadcast %ge3A : f32 to vector<512x1024xf32>
    %ge3A_213 = arith.cmpf oge, %add3A_207, %ge3A_212 : vector<512x1024xf32>
    %mul3A_214 = vector.broadcast %get3A_211 : f32 to vector<512x1024xf32>
    %mul3A_215 = arith.mulf %mul3A_214, %add3A_207 : vector<512x1024xf32>
    %select_n3A = arith.select %ge3A_213, %add3A_207, %mul3A_215 : vector<512x1024xi1>, vector<512x1024xf32>
    %get3A_216 = arith.constant 0 : index
    %get3A_217 = arith.constant 0 : index
    %get3A_218 = vector.load %arg24[%get3A_216, %get3A_217] : memref<1024x64xf32, #tpu.memory_space<vmem>>, vector<1024x64xf32>
    %dot_general3A_219 = arith.constant dense<0.000000e+00> : vector<512x64xf32>
    %dot_general3A_220 = tpu.matmul %select_n3A, %get3A_218, %dot_general3A_219 {dimension_numbers = #tpu.dot_dimension_numbers<[1], [0], [0], [1], [0, 0, 1, 1], [], []>, transpose_lhs_hint = false} : vector<512x1024xf32>, vector<1024x64xf32>, vector<512x64xf32> -> vector<512x64xf32>
    %get3A_221 = arith.constant 0 : index
    %get3A_222 = arith.constant 0 : index
    %get3A_223 = vector.load %arg25[%get3A_221, %get3A_222] : memref<1x64xf32, #tpu.memory_space<vmem>>, vector<1x64xf32>
    %add3A_224 = vector.broadcast %get3A_223 : vector<1x64xf32> to vector<512x64xf32>
    %add3A_225 = arith.addf %dot_general3A_220, %add3A_224 : vector<512x64xf32>
    %get3A_226 = arith.constant 0 : index
    %get3A_227 = arith.constant 0 : index
    %get3A_228 = vector.load %arg45[%get3A_226, %get3A_227] : memref<1x1xf32, #tpu.memory_space<vmem>>, vector<1x1xf32>
    %get3A_229 = vector.extract %get3A_228[0, 0] : f32 from vector<1x1xf32>
    %ge3A_230 = arith.constant 0.000000e+00 : f32
    %ge3A_231 = vector.broadcast %ge3A_230 : f32 to vector<512x64xf32>
    %ge3A_232 = arith.cmpf oge, %add3A_225, %ge3A_231 : vector<512x64xf32>
    %mul3A_233 = vector.broadcast %get3A_229 : f32 to vector<512x64xf32>
    %mul3A_234 = arith.mulf %mul3A_233, %add3A_225 : vector<512x64xf32>
    %select_n3A_235 = arith.select %ge3A_232, %add3A_225, %mul3A_234 : vector<512x64xi1>, vector<512x64xf32>
    %get3A_236 = arith.constant 0 : index
    %get3A_237 = arith.constant 0 : index
    %get3A_238 = vector.load %arg26[%get3A_236, %get3A_237] : memref<256x1024xf32, #tpu.memory_space<vmem>>, vector<256x1024xf32>
    %dot_general3A_239 = arith.constant dense<0.000000e+00> : vector<512x1024xf32>
    %dot_general3A_240 = tpu.matmul %concatenate3A_197, %get3A_238, %dot_general3A_239 {dimension_numbers = #tpu.dot_dimension_numbers<[1], [0], [0], [1], [0, 0, 1, 1], [], []>, transpose_lhs_hint = false} : vector<512x256xf32>, vector<256x1024xf32>, vector<512x1024xf32> -> vector<512x1024xf32>
    %get3A_241 = arith.constant 0 : index
    %get3A_242 = arith.constant 0 : index
    %get3A_243 = vector.load %arg27[%get3A_241, %get3A_242] : memref<1x1024xf32, #tpu.memory_space<vmem>>, vector<1x1024xf32>
    %add3A_244 = vector.broadcast %get3A_243 : vector<1x1024xf32> to vector<512x1024xf32>
    %add3A_245 = arith.addf %dot_general3A_240, %add3A_244 : vector<512x1024xf32>
    %get3A_246 = arith.constant 0 : index
    %get3A_247 = arith.constant 0 : index
    %get3A_248 = vector.load %arg46[%get3A_246, %get3A_247] : memref<1x1xf32, #tpu.memory_space<vmem>>, vector<1x1xf32>
    %get3A_249 = vector.extract %get3A_248[0, 0] : f32 from vector<1x1xf32>
    %ge3A_250 = arith.constant 0.000000e+00 : f32
    %ge3A_251 = vector.broadcast %ge3A_250 : f32 to vector<512x1024xf32>
    %ge3A_252 = arith.cmpf oge, %add3A_245, %ge3A_251 : vector<512x1024xf32>
    %mul3A_253 = vector.broadcast %get3A_249 : f32 to vector<512x1024xf32>
    %mul3A_254 = arith.mulf %mul3A_253, %add3A_245 : vector<512x1024xf32>
    %select_n3A_255 = arith.select %ge3A_252, %add3A_245, %mul3A_254 : vector<512x1024xi1>, vector<512x1024xf32>
    %get3A_256 = arith.constant 0 : index
    %get3A_257 = arith.constant 0 : index
    %get3A_258 = vector.load %arg28[%get3A_256, %get3A_257] : memref<1024x64xf32, #tpu.memory_space<vmem>>, vector<1024x64xf32>
    %dot_general3A_259 = arith.constant dense<0.000000e+00> : vector<512x64xf32>
    %dot_general3A_260 = tpu.matmul %select_n3A_255, %get3A_258, %dot_general3A_259 {dimension_numbers = #tpu.dot_dimension_numbers<[1], [0], [0], [1], [0, 0, 1, 1], [], []>, transpose_lhs_hint = false} : vector<512x1024xf32>, vector<1024x64xf32>, vector<512x64xf32> -> vector<512x64xf32>
    %get3A_261 = arith.constant 0 : index
    %get3A_262 = arith.constant 0 : index
    %get3A_263 = vector.load %arg29[%get3A_261, %get3A_262] : memref<1x64xf32, #tpu.memory_space<vmem>>, vector<1x64xf32>
    %add3A_264 = vector.broadcast %get3A_263 : vector<1x64xf32> to vector<512x64xf32>
    %add3A_265 = arith.addf %dot_general3A_260, %add3A_264 : vector<512x64xf32>
    %get3A_266 = arith.constant 0 : index
    %get3A_267 = arith.constant 0 : index
    %get3A_268 = vector.load %arg47[%get3A_266, %get3A_267] : memref<1x1xf32, #tpu.memory_space<vmem>>, vector<1x1xf32>
    %get3A_269 = vector.extract %get3A_268[0, 0] : f32 from vector<1x1xf32>
    %ge3A_270 = arith.constant 0.000000e+00 : f32
    %ge3A_271 = vector.broadcast %ge3A_270 : f32 to vector<512x64xf32>
    %ge3A_272 = arith.cmpf oge, %add3A_265, %ge3A_271 : vector<512x64xf32>
    %mul3A_273 = vector.broadcast %get3A_269 : f32 to vector<512x64xf32>
    %mul3A_274 = arith.mulf %mul3A_273, %add3A_265 : vector<512x64xf32>
    %select_n3A_275 = arith.select %ge3A_272, %add3A_265, %mul3A_274 : vector<512x64xi1>, vector<512x64xf32>
    %get3A_276 = arith.constant 0 : index
    %get3A_277 = arith.constant 0 : index
    %get3A_278 = vector.load %arg30[%get3A_276, %get3A_277] : memref<128x256xf32, #tpu.memory_space<vmem>>, vector<64x256xf32>
    %dot_general3A_279 = arith.constant dense<0.000000e+00> : vector<512x256xf32>
    %dot_general3A_280 = tpu.matmul %select_n3A_275, %get3A_278, %dot_general3A_279 {dimension_numbers = #tpu.dot_dimension_numbers<[1], [0], [0], [1], [0, 0, 1, 1], [], []>, transpose_lhs_hint = false} : vector<512x64xf32>, vector<64x256xf32>, vector<512x256xf32> -> vector<512x256xf32>
    %get3A_281 = arith.constant 0 : index
    %get3A_282 = arith.constant 0 : index
    %get3A_283 = vector.load %arg31[%get3A_281, %get3A_282] : memref<1x256xf32, #tpu.memory_space<vmem>>, vector<1x256xf32>
    %add3A_284 = vector.broadcast %get3A_283 : vector<1x256xf32> to vector<512x256xf32>
    %add3A_285 = arith.addf %dot_general3A_280, %add3A_284 : vector<512x256xf32>
    %get3A_286 = arith.constant 64 : index
    %get3A_287 = arith.constant 0 : index
    %get3A_288 = vector.load %arg30[%get3A_286, %get3A_287] : memref<128x256xf32, #tpu.memory_space<vmem>>, vector<64x256xf32>
    %dot_general3A_289 = arith.constant dense<0.000000e+00> : vector<512x256xf32>
    %dot_general3A_290 = tpu.matmul %select_n3A_235, %get3A_288, %dot_general3A_289 {dimension_numbers = #tpu.dot_dimension_numbers<[1], [0], [0], [1], [0, 0, 1, 1], [], []>, transpose_lhs_hint = false} : vector<512x64xf32>, vector<64x256xf32>, vector<512x256xf32> -> vector<512x256xf32>
    %swap3A_291 = arith.constant 0 : index
    %swap3A_292 = arith.constant 0 : index
    %swap3A_293 = arith.constant 0 : index
    %swap3A_294 = vector.load %arg51[%swap3A_291, %swap3A_292, %swap3A_293] : memref<2x512x256xf32, #tpu.memory_space<vmem>>, vector<1x512x256xf32>
    %swap3A_295 = vector.shape_cast %swap3A_294 : vector<1x512x256xf32> to vector<512x256xf32>
    %swap3A_296 = vector.shape_cast %add3A_285 : vector<512x256xf32> to vector<1x512x256xf32>
    tpu.vector_store %arg51[%swap3A_291, %swap3A_292, %swap3A_293], %swap3A_296 {strides = array<i32>} : memref<2x512x256xf32, #tpu.memory_space<vmem>>, vector<1x512x256xf32>,
    %swap3A_297 = arith.constant 0 : index
    %swap3A_298 = arith.constant 0 : index
    %swap3A_299 = arith.constant 0 : index
    %swap3A_300 = vector.load %arg52[%swap3A_297, %swap3A_298, %swap3A_299] : memref<2x512x256xf32, #tpu.memory_space<vmem>>, vector<1x512x256xf32>
    %swap3A_301 = vector.shape_cast %swap3A_300 : vector<1x512x256xf32> to vector<512x256xf32>
    %swap3A_302 = vector.shape_cast %dot_general3A_290 : vector<512x256xf32> to vector<1x512x256xf32>
    tpu.vector_store %arg52[%swap3A_297, %swap3A_298, %swap3A_299], %swap3A_302 {strides = array<i32>} : memref<2x512x256xf32, #tpu.memory_space<vmem>>, vector<1x512x256xf32>,
    %get3A_303 = arith.constant 0 : index
    %get3A_304 = arith.constant 0 : index
    %get3A_305 = vector.load %arg48[%get3A_303, %get3A_304] : memref<256x256xf32, #tpu.memory_space<vmem>>, vector<256x256xf32>
    %dot_general3A_306 = arith.constant dense<0.000000e+00> : vector<512x256xf32>
    %dot_general3A_307 = tpu.matmul %add3A_285, %get3A_305, %dot_general3A_306 {dimension_numbers = #tpu.dot_dimension_numbers<[1], [0], [0], [1], [0, 0, 1, 1], [], []>, transpose_lhs_hint = false} : vector<512x256xf32>, vector<256x256xf32>, vector<512x256xf32> -> vector<512x256xf32>
    %mul3A_308 = vector.broadcast %get3A_4 : f32 to vector<512x256xf32>
    %mul3A_309 = arith.mulf %mul3A_308, %dot_general3A_307 : vector<512x256xf32>
    %get3A_310 = arith.constant 0 : index
    %get3A_311 = arith.constant 0 : index
    %get3A_312 = vector.load %arg49[%get3A_310, %get3A_311] : memref<1x256xf32, #tpu.memory_space<vmem>>, vector<1x256xf32>
    %add3A_313 = vector.broadcast %get3A_312 : vector<1x256xf32> to vector<512x256xf32>
    %add3A_314 = arith.addf %mul3A_309, %add3A_313 : vector<512x256xf32>
    %get3A_315 = arith.constant 0 : index
    %get3A_316 = arith.constant 0 : index
    %get3A_317 = vector.load %arg48[%get3A_315, %get3A_316] : memref<256x256xf32, #tpu.memory_space<vmem>>, vector<256x256xf32>
    %dot_general3A_318 = arith.constant dense<0.000000e+00> : vector<512x256xf32>
    %dot_general3A_319 = tpu.matmul %dot_general3A_290, %get3A_317, %dot_general3A_318 {dimension_numbers = #tpu.dot_dimension_numbers<[1], [0], [0], [1], [0, 0, 1, 1], [], []>, transpose_lhs_hint = false} : vector<512x256xf32>, vector<256x256xf32>, vector<512x256xf32> -> vector<512x256xf32>
    %mul3A_320 = vector.broadcast %get3A_4 : f32 to vector<512x256xf32>
    %mul3A_321 = arith.mulf %mul3A_320, %dot_general3A_319 : vector<512x256xf32>
    %swap3A_322 = arith.constant 0 : index
    %swap3A_323 = arith.constant 0 : index
    %swap3A_324 = arith.constant 0 : index
    %swap3A_325 = vector.load %arg53[%swap3A_322, %swap3A_323, %swap3A_324] : memref<2x512x256xf32, #tpu.memory_space<vmem>>, vector<1x512x256xf32>
    %swap3A_326 = vector.shape_cast %swap3A_325 : vector<1x512x256xf32> to vector<512x256xf32>
    %swap3A_327 = vector.shape_cast %add3A_314 : vector<512x256xf32> to vector<1x512x256xf32>
    tpu.vector_store %arg53[%swap3A_322, %swap3A_323, %swap3A_324], %swap3A_327 {strides = array<i32>} : memref<2x512x256xf32, #tpu.memory_space<vmem>>, vector<1x512x256xf32>,
    %swap3A_328 = arith.constant 0 : index
    %swap3A_329 = arith.constant 0 : index
    %swap3A_330 = arith.constant 0 : index
    %swap3A_331 = vector.load %arg54[%swap3A_328, %swap3A_329, %swap3A_330] : memref<2x512x256xf32, #tpu.memory_space<vmem>>, vector<1x512x256xf32>
    %swap3A_332 = vector.shape_cast %swap3A_331 : vector<1x512x256xf32> to vector<512x256xf32>
    %swap3A_333 = vector.shape_cast %mul3A_321 : vector<512x256xf32> to vector<1x512x256xf32>
    tpu.vector_store %arg54[%swap3A_328, %swap3A_329, %swap3A_330], %swap3A_333 {strides = array<i32>} : memref<2x512x256xf32, #tpu.memory_space<vmem>>, vector<1x512x256xf32>,
    %concatenate3A_334 = tpu.concatenate %max3A_61, %max3A_196 in 1 : vector<512x256xf32>, vector<512x256xf32> -> vector<512x512xf32>
    %get3A_335 = arith.constant 0 : index
    %get3A_336 = arith.constant 0 : index
    %get3A_337 = vector.load %arg32[%get3A_335, %get3A_336] : memref<512x256xf32, #tpu.memory_space<vmem>>, vector<512x256xf32>
    %dot_general3A_338 = arith.constant dense<0.000000e+00> : vector<512x256xf32>
    %dot_general3A_339 = tpu.matmul %concatenate3A_334, %get3A_337, %dot_general3A_338 {dimension_numbers = #tpu.dot_dimension_numbers<[1], [0], [0], [1], [0, 0, 1, 1], [], []>, transpose_lhs_hint = false} : vector<512x512xf32>, vector<512x256xf32>, vector<512x256xf32> -> vector<512x256xf32>
    %get3A_340 = arith.constant 0 : index
    %get3A_341 = arith.constant 0 : index
    %get3A_342 = vector.load %arg38[%get3A_340, %get3A_341] : memref<256x256xf32, #tpu.memory_space<vmem>>, vector<256x256xf32>
    %dot_general3A_343 = arith.constant dense<0.000000e+00> : vector<512x256xf32>
    %dot_general3A_344 = tpu.matmul %broadcast_in_dim3A_12, %get3A_342, %dot_general3A_343 {dimension_numbers = #tpu.dot_dimension_numbers<[1], [0], [0], [1], [0, 0, 1, 1], [], []>, transpose_lhs_hint = false} : vector<512x256xf32>, vector<256x256xf32>, vector<512x256xf32> -> vector<512x256xf32>
    %add3A_345 = arith.addf %dot_general3A_339, %dot_general3A_344 : vector<512x256xf32>
    %get3A_346 = arith.constant 0 : index
    %get3A_347 = arith.constant 0 : index
    %get3A_348 = vector.load %arg34[%get3A_346, %get3A_347] : memref<512x256xf32, #tpu.memory_space<vmem>>, vector<512x256xf32>
    %dot_general3A_349 = arith.constant dense<0.000000e+00> : vector<512x256xf32>
    %dot_general3A_350 = tpu.matmul %concatenate3A_334, %get3A_348, %dot_general3A_349 {dimension_numbers = #tpu.dot_dimension_numbers<[1], [0], [0], [1], [0, 0, 1, 1], [], []>, transpose_lhs_hint = false} : vector<512x512xf32>, vector<512x256xf32>, vector<512x256xf32> -> vector<512x256xf32>
    %get3A_351 = arith.constant 0 : index
    %get3A_352 = arith.constant 0 : index
    %get3A_353 = vector.load %arg40[%get3A_351, %get3A_352] : memref<256x256xf32, #tpu.memory_space<vmem>>, vector<256x256xf32>
    %dot_general3A_354 = arith.constant dense<0.000000e+00> : vector<512x256xf32>
    %dot_general3A_355 = tpu.matmul %broadcast_in_dim3A_12, %get3A_353, %dot_general3A_354 {dimension_numbers = #tpu.dot_dimension_numbers<[1], [0], [0], [1], [0, 0, 1, 1], [], []>, transpose_lhs_hint = false} : vector<512x256xf32>, vector<256x256xf32>, vector<512x256xf32> -> vector<512x256xf32>
    %add3A_356 = arith.addf %dot_general3A_350, %dot_general3A_355 : vector<512x256xf32>
    %concatenate3A_357 = tpu.concatenate %add3A_345, %add3A_356 in 1 : vector<512x256xf32>, vector<512x256xf32> -> vector<512x512xf32>
    %dot_general3A_358 = arith.constant dense<0.000000e+00> : vector<512x512xf32>
    %dot_general3A_359 = tpu.matmul %mul3A_27, %concatenate3A_357, %dot_general3A_358 {dimension_numbers = #tpu.dot_dimension_numbers<[1], [0], [0], [1], [0, 0, 1, 1], [], []>, transpose_lhs_hint = false} : vector<512x512xf32>, vector<512x512xf32>, vector<512x512xf32> -> vector<512x512xf32>
    %slice3A_360 = vector.extract_strided_slice %dot_general3A_359 {offsets = [0, 0], sizes = [512, 256], strides = [1, 1]} : vector<512x512xf32> to vector<512x256xf32>
    %get3A_361 = arith.constant 0 : index
    %get3A_362 = arith.constant 0 : index
    %get3A_363 = vector.load %arg33[%get3A_361, %get3A_362] : memref<1x256xf32, #tpu.memory_space<vmem>>, vector<1x256xf32>
    %add3A_364 = vector.broadcast %get3A_363 : vector<1x256xf32> to vector<512x256xf32>
    %add3A_365 = arith.addf %slice3A_360, %add3A_364 : vector<512x256xf32>
    %get3A_366 = arith.constant 0 : index
    %get3A_367 = arith.constant 0 : index
    %get3A_368 = vector.load %arg39[%get3A_366, %get3A_367] : memref<1x256xf32, #tpu.memory_space<vmem>>, vector<1x256xf32>
    %add3A_369 = vector.broadcast %get3A_368 : vector<1x256xf32> to vector<512x256xf32>
    %add3A_370 = arith.addf %add3A_365, %add3A_369 : vector<512x256xf32>
    %logistic3A = arith.negf %add3A_370 : vector<512x256xf32>
    %logistic3A_371 = math.exp %logistic3A : vector<512x256xf32>
    %logistic3A_372 = arith.constant 1.000000e+00 : f32
    %logistic3A_373 = vector.broadcast %logistic3A_372 : f32 to vector<512x256xf32>
    %logistic3A_374 = arith.addf %logistic3A_373, %logistic3A_371 : vector<512x256xf32>
    %logistic3A_375 = arith.divf %logistic3A_373, %logistic3A_374 : vector<512x256xf32>
    %slice3A_376 = vector.extract_strided_slice %dot_general3A_359 {offsets = [0, 256], sizes = [512, 256], strides = [1, 1]} : vector<512x512xf32> to vector<512x256xf32>
    %get3A_377 = arith.constant 0 : index
    %get3A_378 = arith.constant 0 : index
    %get3A_379 = vector.load %arg35[%get3A_377, %get3A_378] : memref<1x256xf32, #tpu.memory_space<vmem>>, vector<1x256xf32>
    %add3A_380 = vector.broadcast %get3A_379 : vector<1x256xf32> to vector<512x256xf32>
    %add3A_381 = arith.addf %slice3A_376, %add3A_380 : vector<512x256xf32>
    %get3A_382 = arith.constant 0 : index
    %get3A_383 = arith.constant 0 : index
    %get3A_384 = vector.load %arg41[%get3A_382, %get3A_383] : memref<1x256xf32, #tpu.memory_space<vmem>>, vector<1x256xf32>
    %add3A_385 = vector.broadcast %get3A_384 : vector<1x256xf32> to vector<512x256xf32>
    %add3A_386 = arith.addf %add3A_381, %add3A_385 : vector<512x256xf32>
    %logistic3A_387 = arith.negf %add3A_386 : vector<512x256xf32>
    %logistic3A_388 = math.exp %logistic3A_387 : vector<512x256xf32>
    %logistic3A_389 = arith.constant 1.000000e+00 : f32
    %logistic3A_390 = vector.broadcast %logistic3A_389 : f32 to vector<512x256xf32>
    %logistic3A_391 = arith.addf %logistic3A_390, %logistic3A_388 : vector<512x256xf32>
    %logistic3A_392 = arith.divf %logistic3A_390, %logistic3A_391 : vector<512x256xf32>
    %get3A_393 = arith.constant 0 : index
    %get3A_394 = arith.constant 0 : index
    %get3A_395 = vector.load %arg36[%get3A_393, %get3A_394] : memref<512x256xf32, #tpu.memory_space<vmem>>, vector<512x256xf32>
    %dot_general3A_396 = arith.constant dense<0.000000e+00> : vector<512x256xf32>
    %dot_general3A_397 = tpu.matmul %concatenate3A_334, %get3A_395, %dot_general3A_396 {dimension_numbers = #tpu.dot_dimension_numbers<[1], [0], [0], [1], [0, 0, 1, 1], [], []>, transpose_lhs_hint = false} : vector<512x512xf32>, vector<512x256xf32>, vector<512x256xf32> -> vector<512x256xf32>
    %mul3A_398 = arith.mulf %logistic3A_392, %broadcast_in_dim3A_12 : vector<512x256xf32>
    %get3A_399 = arith.constant 0 : index
    %get3A_400 = arith.constant 0 : index
    %get3A_401 = vector.load %arg42[%get3A_399, %get3A_400] : memref<256x256xf32, #tpu.memory_space<vmem>>, vector<256x256xf32>
    %dot_general3A_402 = arith.constant dense<0.000000e+00> : vector<512x256xf32>
    %dot_general3A_403 = tpu.matmul %mul3A_398, %get3A_401, %dot_general3A_402 {dimension_numbers = #tpu.dot_dimension_numbers<[1], [0], [0], [1], [0, 0, 1, 1], [], []>, transpose_lhs_hint = false} : vector<512x256xf32>, vector<256x256xf32>, vector<512x256xf32> -> vector<512x256xf32>
    %add3A_404 = arith.addf %dot_general3A_397, %dot_general3A_403 : vector<512x256xf32>
    %dot_general3A_405 = arith.constant dense<0.000000e+00> : vector<512x256xf32>
    %dot_general3A_406 = tpu.matmul %mul3A_27, %add3A_404, %dot_general3A_405 {dimension_numbers = #tpu.dot_dimension_numbers<[1], [0], [0], [1], [0, 0, 1, 1], [], []>, transpose_lhs_hint = false} : vector<512x512xf32>, vector<512x256xf32>, vector<512x256xf32> -> vector<512x256xf32>
    %get3A_407 = arith.constant 0 : index
    %get3A_408 = arith.constant 0 : index
    %get3A_409 = vector.load %arg37[%get3A_407, %get3A_408] : memref<1x256xf32, #tpu.memory_space<vmem>>, vector<1x256xf32>
    %add3A_410 = vector.broadcast %get3A_409 : vector<1x256xf32> to vector<512x256xf32>
    %add3A_411 = arith.addf %dot_general3A_406, %add3A_410 : vector<512x256xf32>
    %get3A_412 = arith.constant 0 : index
    %get3A_413 = arith.constant 0 : index
    %get3A_414 = vector.load %arg43[%get3A_412, %get3A_413] : memref<1x256xf32, #tpu.memory_space<vmem>>, vector<1x256xf32>
    %add3A_415 = vector.broadcast %get3A_414 : vector<1x256xf32> to vector<512x256xf32>
    %add3A_416 = arith.addf %add3A_411, %add3A_415 : vector<512x256xf32>
    %mul3A_417 = arith.mulf %logistic3A_375, %broadcast_in_dim3A_12 : vector<512x256xf32>
    %sub3A_418 = arith.constant 1.000000e+00 : f32
    %sub3A_419 = vector.broadcast %sub3A_418 : f32 to vector<512x256xf32>
    %sub3A_420 = arith.subf %sub3A_419, %logistic3A_375 : vector<512x256xf32>
    %tanh3A = math.tanh %add3A_416 : vector<512x256xf32>
    %mul3A_421 = arith.mulf %sub3A_420, %tanh3A : vector<512x256xf32>
    %add3A_422 = arith.addf %mul3A_417, %mul3A_421 : vector<512x256xf32>
    %get3A_423 = arith.constant 2 : index
    %get3A_424 = arith.constant 0 : index
    %get3A_425 = arith.constant 0 : index
    %get3A_426 = vector.load %arg0[%get3A_423, %get3A_424, %get3A_425] : memref<4x512x512xf32, #tpu.memory_space<vmem>>, vector<1x512x512xf32>
    %get3A_427 = vector.shape_cast %get3A_426 : vector<1x512x512xf32> to vector<512x512xf32>
    %reduce_sum3A_428 = arith.constant dense<0.000000e+00> : vector<512xf32>
    %reduce_sum3A_429 = vector.multi_reduction <add>, %get3A_427, %reduce_sum3A_428 [1] : vector<512x512xf32> to vector<512xf32>
    %add3A_430 = arith.constant 1.000000e+00 : f32
    %add3A_431 = vector.broadcast %add3A_430 : f32 to vector<512xf32>
    %add3A_432 = arith.addf %reduce_sum3A_429, %add3A_431 : vector<512xf32>
    %rsqrt3A_433 = math.rsqrt %add3A_432 : vector<512xf32>
    %add3A_434 = arith.addf %get3A_427, %convert_element_type3A_1 : vector<512x512xf32>
    %broadcast_in_dim3A_435 = vector.shape_cast %rsqrt3A_433 : vector<512xf32> to vector<512x1xf32>
    %mul3A_436 = vector.broadcast %broadcast_in_dim3A_435 : vector<512x1xf32> to vector<512x512xf32>
    %mul3A_437 = arith.mulf %add3A_434, %mul3A_436 : vector<512x512xf32>
    %broadcast_in_dim3A_438 = vector.shape_cast %rsqrt3A_433 : vector<512xf32> to vector<1x512xf32>
    %mul3A_439 = vector.broadcast %broadcast_in_dim3A_438 : vector<1x512xf32> to vector<512x512xf32>
    %mul3A_440 = arith.mulf %mul3A_437, %mul3A_439 : vector<512x512xf32>
    %get3A_441 = arith.constant 3 : index
    %get3A_442 = arith.constant 0 : index
    %get3A_443 = arith.constant 0 : index
    %get3A_444 = vector.load %arg0[%get3A_441, %get3A_442, %get3A_443] : memref<4x512x512xf32, #tpu.memory_space<vmem>>, vector<1x512x512xf32>
    %get3A_445 = vector.shape_cast %get3A_444 : vector<1x512x512xf32> to vector<512x512xf32>
    %reduce_sum3A_446 = arith.constant dense<0.000000e+00> : vector<512xf32>
    %reduce_sum3A_447 = vector.multi_reduction <add>, %get3A_445, %reduce_sum3A_446 [1] : vector<512x512xf32> to vector<512xf32>
    %add3A_448 = arith.constant 1.000000e+00 : f32
    %add3A_449 = vector.broadcast %add3A_448 : f32 to vector<512xf32>
    %add3A_450 = arith.addf %reduce_sum3A_447, %add3A_449 : vector<512xf32>
    %rsqrt3A_451 = math.rsqrt %add3A_450 : vector<512xf32>
    %add3A_452 = arith.addf %get3A_445, %convert_element_type3A_1 : vector<512x512xf32>
    %broadcast_in_dim3A_453 = vector.shape_cast %rsqrt3A_451 : vector<512xf32> to vector<512x1xf32>
    %mul3A_454 = vector.broadcast %broadcast_in_dim3A_453 : vector<512x1xf32> to vector<512x512xf32>
    %mul3A_455 = arith.mulf %add3A_452, %mul3A_454 : vector<512x512xf32>
    %broadcast_in_dim3A_456 = vector.shape_cast %rsqrt3A_451 : vector<512xf32> to vector<1x512xf32>
    %mul3A_457 = vector.broadcast %broadcast_in_dim3A_456 : vector<1x512xf32> to vector<512x512xf32>
    %mul3A_458 = arith.mulf %mul3A_455, %mul3A_457 : vector<512x512xf32>
    %get3A_459 = arith.constant 1 : index
    %get3A_460 = arith.constant 0 : index
    %get3A_461 = arith.constant 0 : index
    %get3A_462 = vector.load %arg1[%get3A_459, %get3A_460, %get3A_461] : memref<2x512x128xf32, #tpu.memory_space<vmem>>, vector<1x512x128xf32>
    %get3A_463 = vector.shape_cast %get3A_462 : vector<1x512x128xf32> to vector<512x128xf32>
    %get3A_464 = arith.constant 0 : index
    %get3A_465 = arith.constant 0 : index
    %get3A_466 = vector.load %arg4[%get3A_464, %get3A_465] : memref<128x256xf32, #tpu.memory_space<vmem>>, vector<128x256xf32>
    %dot_general3A_467 = arith.constant dense<0.000000e+00> : vector<512x256xf32>
    %dot_general3A_468 = tpu.matmul %get3A_463, %get3A_466, %dot_general3A_467 {dimension_numbers = #tpu.dot_dimension_numbers<[1], [0], [0], [1], [0, 0, 1, 1], [], []>, transpose_lhs_hint = false} : vector<512x128xf32>, vector<128x256xf32>, vector<512x256xf32> -> vector<512x256xf32>
    %get3A_469 = arith.constant 0 : index
    %get3A_470 = arith.constant 0 : index
    %get3A_471 = vector.load %arg5[%get3A_469, %get3A_470] : memref<1x256xf32, #tpu.memory_space<vmem>>, vector<1x256xf32>
    %add3A_472 = vector.broadcast %get3A_471 : vector<1x256xf32> to vector<512x256xf32>
    %add3A_473 = arith.addf %dot_general3A_468, %add3A_472 : vector<512x256xf32>
    %max3A_474 = arith.constant 0.000000e+00 : f32
    %max3A_475 = vector.broadcast %max3A_474 : f32 to vector<512x256xf32>
    %max3A_476 = arith.maximumf %add3A_473, %max3A_475 : vector<512x256xf32>
    %get3A_477 = arith.constant 0 : index
    %get3A_478 = arith.constant 0 : index
    %get3A_479 = vector.load %arg6[%get3A_477, %get3A_478] : memref<128x256xf32, #tpu.memory_space<vmem>>, vector<128x256xf32>
    %dot_general3A_480 = arith.constant dense<0.000000e+00> : vector<512x256xf32>
    %dot_general3A_481 = tpu.matmul %get3A_463, %get3A_479, %dot_general3A_480 {dimension_numbers = #tpu.dot_dimension_numbers<[1], [0], [0], [1], [0, 0, 1, 1], [], []>, transpose_lhs_hint = false} : vector<512x128xf32>, vector<128x256xf32>, vector<512x256xf32> -> vector<512x256xf32>
    %get3A_482 = arith.constant 0 : index
    %get3A_483 = arith.constant 0 : index
    %get3A_484 = vector.load %arg7[%get3A_482, %get3A_483] : memref<1x256xf32, #tpu.memory_space<vmem>>, vector<1x256xf32>
    %add3A_485 = vector.broadcast %get3A_484 : vector<1x256xf32> to vector<512x256xf32>
    %add3A_486 = arith.addf %dot_general3A_481, %add3A_485 : vector<512x256xf32>
    %max3A_487 = arith.constant 0.000000e+00 : f32
    %max3A_488 = vector.broadcast %max3A_487 : f32 to vector<512x256xf32>
    %max3A_489 = arith.maximumf %add3A_486, %max3A_488 : vector<512x256xf32>
    %concatenate3A_490 = tpu.concatenate %max3A_476, %add3A_422 in 1 : vector<512x256xf32>, vector<512x256xf32> -> vector<512x512xf32>
    %get3A_491 = arith.constant 0 : index
    %get3A_492 = arith.constant 0 : index
    %get3A_493 = vector.load %arg10[%get3A_491, %get3A_492] : memref<512x256xf32, #tpu.memory_space<vmem>>, vector<512x256xf32>
    %dot_general3A_494 = arith.constant dense<0.000000e+00> : vector<512x256xf32>
    %dot_general3A_495 = tpu.matmul %concatenate3A_490, %get3A_493, %dot_general3A_494 {dimension_numbers = #tpu.dot_dimension_numbers<[1], [0], [0], [1], [0, 0, 1, 1], [], []>, transpose_lhs_hint = false} : vector<512x512xf32>, vector<512x256xf32>, vector<512x256xf32> -> vector<512x256xf32>
    %dot_general3A_496 = arith.constant dense<0.000000e+00> : vector<512x256xf32>
    %dot_general3A_497 = tpu.matmul %mul3A_440, %dot_general3A_495, %dot_general3A_496 {dimension_numbers = #tpu.dot_dimension_numbers<[1], [0], [0], [1], [0, 0, 1, 1], [], []>, transpose_lhs_hint = false} : vector<512x512xf32>, vector<512x256xf32>, vector<512x256xf32> -> vector<512x256xf32>
    %get3A_498 = arith.constant 0 : index
    %get3A_499 = arith.constant 0 : index
    %get3A_500 = vector.load %arg11[%get3A_498, %get3A_499] : memref<1x256xf32, #tpu.memory_space<vmem>>, vector<1x256xf32>
    %add3A_501 = vector.broadcast %get3A_500 : vector<1x256xf32> to vector<512x256xf32>
    %add3A_502 = arith.addf %dot_general3A_497, %add3A_501 : vector<512x256xf32>
    %max3A_503 = arith.constant 0.000000e+00 : f32
    %max3A_504 = vector.broadcast %max3A_503 : f32 to vector<512x256xf32>
    %max3A_505 = arith.maximumf %add3A_502, %max3A_504 : vector<512x256xf32>
    %get3A_506 = arith.constant 0 : index
    %get3A_507 = arith.constant 0 : index
    %get3A_508 = vector.load %arg12[%get3A_506, %get3A_507] : memref<256x128xf32, #tpu.memory_space<vmem>>, vector<256x128xf32>
    %dot_general3A_509 = arith.constant dense<0.000000e+00> : vector<512x128xf32>
    %dot_general3A_510 = tpu.matmul %max3A_505, %get3A_508, %dot_general3A_509 {dimension_numbers = #tpu.dot_dimension_numbers<[1], [0], [0], [1], [0, 0, 1, 1], [], []>, transpose_lhs_hint = false} : vector<512x256xf32>, vector<256x128xf32>, vector<512x128xf32> -> vector<512x128xf32>
    %get3A_511 = arith.constant 0 : index
    %get3A_512 = arith.constant 0 : index
    %get3A_513 = vector.load %arg14[%get3A_511, %get3A_512] : memref<256x128xf32, #tpu.memory_space<vmem>>, vector<256x128xf32>
    %dot_general3A_514 = arith.constant dense<0.000000e+00> : vector<512x128xf32>
    %dot_general3A_515 = tpu.matmul %max3A_505, %get3A_513, %dot_general3A_514 {dimension_numbers = #tpu.dot_dimension_numbers<[1], [0], [0], [1], [0, 0, 1, 1], [], []>, transpose_lhs_hint = false} : vector<512x256xf32>, vector<256x128xf32>, vector<512x128xf32> -> vector<512x128xf32>
    %concatenate3A_516 = tpu.concatenate %dot_general3A_510, %dot_general3A_515 in 1 : vector<512x128xf32>, vector<512x128xf32> -> vector<512x256xf32>
    %dot_general3A_517 = arith.constant dense<0.000000e+00> : vector<512x256xf32>
    %dot_general3A_518 = tpu.matmul %mul3A_440, %concatenate3A_516, %dot_general3A_517 {dimension_numbers = #tpu.dot_dimension_numbers<[1], [0], [0], [1], [0, 0, 1, 1], [], []>, transpose_lhs_hint = false} : vector<512x512xf32>, vector<512x256xf32>, vector<512x256xf32> -> vector<512x256xf32>
    %slice3A_519 = vector.extract_strided_slice %dot_general3A_518 {offsets = [0, 0], sizes = [512, 128], strides = [1, 1]} : vector<512x256xf32> to vector<512x128xf32>
    %get3A_520 = arith.constant 0 : index
    %get3A_521 = arith.constant 0 : index
    %get3A_522 = vector.load %arg13[%get3A_520, %get3A_521] : memref<1x128xf32, #tpu.memory_space<vmem>>, vector<1x128xf32>
    %add3A_523 = vector.broadcast %get3A_522 : vector<1x128xf32> to vector<512x128xf32>
    %add3A_524 = arith.addf %slice3A_519, %add3A_523 : vector<512x128xf32>
    %slice3A_525 = vector.extract_strided_slice %dot_general3A_518 {offsets = [0, 128], sizes = [512, 128], strides = [1, 1]} : vector<512x256xf32> to vector<512x128xf32>
    %get3A_526 = arith.constant 0 : index
    %get3A_527 = arith.constant 0 : index
    %get3A_528 = vector.load %arg15[%get3A_526, %get3A_527] : memref<1x128xf32, #tpu.memory_space<vmem>>, vector<1x128xf32>
    %add3A_529 = vector.broadcast %get3A_528 : vector<1x128xf32> to vector<512x128xf32>
    %add3A_530 = arith.addf %slice3A_525, %add3A_529 : vector<512x128xf32>
    %abs3A_531 = math.absf %add3A_530 : vector<512x128xf32>
    %neg3A_532 = arith.constant 0.000000e+00 : f32
    %neg3A_533 = vector.broadcast %neg3A_532 : f32 to vector<512x128xf32>
    %neg3A_534 = arith.subf %neg3A_533, %abs3A_531 : vector<512x128xf32>
    %exp3A_535 = math.exp %neg3A_534 : vector<512x128xf32>
    %log1p3A_536 = math.log1p %exp3A_535 : vector<512x128xf32>
    %max3A_537 = arith.constant 0.000000e+00 : f32
    %max3A_538 = vector.broadcast %max3A_537 : f32 to vector<512x128xf32>
    %max3A_539 = arith.maximumf %add3A_530, %max3A_538 : vector<512x128xf32>
    %add3A_540 = arith.addf %log1p3A_536, %max3A_539 : vector<512x128xf32>
    %get3A_541 = arith.constant 0 : index
    %get3A_542 = arith.constant 0 : index
    %get3A_543 = vector.load %arg16[%get3A_541, %get3A_542] : memref<256x256xf32, #tpu.memory_space<vmem>>, vector<256x256xf32>
    %dot_general3A_544 = arith.constant dense<0.000000e+00> : vector<512x256xf32>
    %dot_general3A_545 = tpu.matmul %max3A_489, %get3A_543, %dot_general3A_544 {dimension_numbers = #tpu.dot_dimension_numbers<[1], [0], [0], [1], [0, 0, 1, 1], [], []>, transpose_lhs_hint = false} : vector<512x256xf32>, vector<256x256xf32>, vector<512x256xf32> -> vector<512x256xf32>
    %dot_general3A_546 = arith.constant dense<0.000000e+00> : vector<512x256xf32>
    %dot_general3A_547 = tpu.matmul %mul3A_458, %dot_general3A_545, %dot_general3A_546 {dimension_numbers = #tpu.dot_dimension_numbers<[1], [0], [0], [1], [0, 0, 1, 1], [], []>, transpose_lhs_hint = false} : vector<512x512xf32>, vector<512x256xf32>, vector<512x256xf32> -> vector<512x256xf32>
    %get3A_548 = arith.constant 0 : index
    %get3A_549 = arith.constant 0 : index
    %get3A_550 = vector.load %arg17[%get3A_548, %get3A_549] : memref<1x256xf32, #tpu.memory_space<vmem>>, vector<1x256xf32>
    %add3A_551 = vector.broadcast %get3A_550 : vector<1x256xf32> to vector<512x256xf32>
    %add3A_552 = arith.addf %dot_general3A_547, %add3A_551 : vector<512x256xf32>
    %max3A_553 = arith.constant 0.000000e+00 : f32
    %max3A_554 = vector.broadcast %max3A_553 : f32 to vector<512x256xf32>
    %max3A_555 = arith.maximumf %add3A_552, %max3A_554 : vector<512x256xf32>
    %get3A_556 = arith.constant 0 : index
    %get3A_557 = arith.constant 0 : index
    %get3A_558 = vector.load %arg18[%get3A_556, %get3A_557] : memref<256x128xf32, #tpu.memory_space<vmem>>, vector<256x128xf32>
    %dot_general3A_559 = arith.constant dense<0.000000e+00> : vector<512x128xf32>
    %dot_general3A_560 = tpu.matmul %max3A_555, %get3A_558, %dot_general3A_559 {dimension_numbers = #tpu.dot_dimension_numbers<[1], [0], [0], [1], [0, 0, 1, 1], [], []>, transpose_lhs_hint = false} : vector<512x256xf32>, vector<256x128xf32>, vector<512x128xf32> -> vector<512x128xf32>
    %get3A_561 = arith.constant 0 : index
    %get3A_562 = arith.constant 0 : index
    %get3A_563 = vector.load %arg20[%get3A_561, %get3A_562] : memref<256x128xf32, #tpu.memory_space<vmem>>, vector<256x128xf32>
    %dot_general3A_564 = arith.constant dense<0.000000e+00> : vector<512x128xf32>
    %dot_general3A_565 = tpu.matmul %max3A_555, %get3A_563, %dot_general3A_564 {dimension_numbers = #tpu.dot_dimension_numbers<[1], [0], [0], [1], [0, 0, 1, 1], [], []>, transpose_lhs_hint = false} : vector<512x256xf32>, vector<256x128xf32>, vector<512x128xf32> -> vector<512x128xf32>
    %concatenate3A_566 = tpu.concatenate %dot_general3A_560, %dot_general3A_565 in 1 : vector<512x128xf32>, vector<512x128xf32> -> vector<512x256xf32>
    %dot_general3A_567 = arith.constant dense<0.000000e+00> : vector<512x256xf32>
    %dot_general3A_568 = tpu.matmul %mul3A_458, %concatenate3A_566, %dot_general3A_567 {dimension_numbers = #tpu.dot_dimension_numbers<[1], [0], [0], [1], [0, 0, 1, 1], [], []>, transpose_lhs_hint = false} : vector<512x512xf32>, vector<512x256xf32>, vector<512x256xf32> -> vector<512x256xf32>
    %slice3A_569 = vector.extract_strided_slice %dot_general3A_568 {offsets = [0, 0], sizes = [512, 128], strides = [1, 1]} : vector<512x256xf32> to vector<512x128xf32>
    %get3A_570 = arith.constant 0 : index
    %get3A_571 = arith.constant 0 : index
    %get3A_572 = vector.load %arg19[%get3A_570, %get3A_571] : memref<1x128xf32, #tpu.memory_space<vmem>>, vector<1x128xf32>
    %add3A_573 = vector.broadcast %get3A_572 : vector<1x128xf32> to vector<512x128xf32>
    %add3A_574 = arith.addf %slice3A_569, %add3A_573 : vector<512x128xf32>
    %slice3A_575 = vector.extract_strided_slice %dot_general3A_568 {offsets = [0, 128], sizes = [512, 128], strides = [1, 1]} : vector<512x256xf32> to vector<512x128xf32>
    %get3A_576 = arith.constant 0 : index
    %get3A_577 = arith.constant 0 : index
    %get3A_578 = vector.load %arg21[%get3A_576, %get3A_577] : memref<1x128xf32, #tpu.memory_space<vmem>>, vector<1x128xf32>
    %add3A_579 = vector.broadcast %get3A_578 : vector<1x128xf32> to vector<512x128xf32>
    %add3A_580 = arith.addf %slice3A_575, %add3A_579 : vector<512x128xf32>
    %abs3A_581 = math.absf %add3A_580 : vector<512x128xf32>
    %neg3A_582 = arith.constant 0.000000e+00 : f32
    %neg3A_583 = vector.broadcast %neg3A_582 : f32 to vector<512x128xf32>
    %neg3A_584 = arith.subf %neg3A_583, %abs3A_581 : vector<512x128xf32>
    %exp3A_585 = math.exp %neg3A_584 : vector<512x128xf32>
    %log1p3A_586 = math.log1p %exp3A_585 : vector<512x128xf32>
    %max3A_587 = arith.constant 0.000000e+00 : f32
    %max3A_588 = vector.broadcast %max3A_587 : f32 to vector<512x128xf32>
    %max3A_589 = arith.maximumf %add3A_580, %max3A_588 : vector<512x128xf32>
    %add3A_590 = arith.addf %log1p3A_586, %max3A_589 : vector<512x128xf32>
    %get3A_591 = arith.constant 1 : index
    %get3A_592 = arith.constant 0 : index
    %get3A_593 = arith.constant 0 : index
    %get3A_594 = vector.load %arg2[%get3A_591, %get3A_592, %get3A_593] : memref<2x512x128xf32, #tpu.memory_space<vmem>>, vector<1x512x128xf32>
    %get3A_595 = vector.shape_cast %get3A_594 : vector<1x512x128xf32> to vector<512x128xf32>
    %mul3A_596 = arith.mulf %add3A_540, %get3A_595 : vector<512x128xf32>
    %add3A_597 = arith.addf %add3A_524, %mul3A_596 : vector<512x128xf32>
    %get3A_598 = arith.constant 1 : index
    %get3A_599 = arith.constant 0 : index
    %get3A_600 = arith.constant 0 : index
    %get3A_601 = vector.load %arg3[%get3A_598, %get3A_599, %get3A_600] : memref<2x512x128xf32, #tpu.memory_space<vmem>>, vector<1x512x128xf32>
    %get3A_602 = vector.shape_cast %get3A_601 : vector<1x512x128xf32> to vector<512x128xf32>
    %mul3A_603 = arith.mulf %add3A_590, %get3A_602 : vector<512x128xf32>
    %add3A_604 = arith.addf %add3A_574, %mul3A_603 : vector<512x128xf32>
    %concatenate3A_605 = tpu.concatenate %add3A_597, %add3A_604 in 1 : vector<512x128xf32>, vector<512x128xf32> -> vector<512x256xf32>
    %get3A_606 = arith.constant 0 : index
    %get3A_607 = arith.constant 0 : index
    %get3A_608 = vector.load %arg22[%get3A_606, %get3A_607] : memref<256x1024xf32, #tpu.memory_space<vmem>>, vector<256x1024xf32>
    %dot_general3A_609 = arith.constant dense<0.000000e+00> : vector<512x1024xf32>
    %dot_general3A_610 = tpu.matmul %concatenate3A_605, %get3A_608, %dot_general3A_609 {dimension_numbers = #tpu.dot_dimension_numbers<[1], [0], [0], [1], [0, 0, 1, 1], [], []>, transpose_lhs_hint = false} : vector<512x256xf32>, vector<256x1024xf32>, vector<512x1024xf32> -> vector<512x1024xf32>
    %get3A_611 = arith.constant 0 : index
    %get3A_612 = arith.constant 0 : index
    %get3A_613 = vector.load %arg23[%get3A_611, %get3A_612] : memref<1x1024xf32, #tpu.memory_space<vmem>>, vector<1x1024xf32>
    %add3A_614 = vector.broadcast %get3A_613 : vector<1x1024xf32> to vector<512x1024xf32>
    %add3A_615 = arith.addf %dot_general3A_610, %add3A_614 : vector<512x1024xf32>
    %get3A_616 = arith.constant 0 : index
    %get3A_617 = arith.constant 0 : index
    %get3A_618 = vector.load %arg44[%get3A_616, %get3A_617] : memref<1x1xf32, #tpu.memory_space<vmem>>, vector<1x1xf32>
    %get3A_619 = vector.extract %get3A_618[0, 0] : f32 from vector<1x1xf32>
    %ge3A_620 = arith.constant 0.000000e+00 : f32
    %ge3A_621 = vector.broadcast %ge3A_620 : f32 to vector<512x1024xf32>
    %ge3A_622 = arith.cmpf oge, %add3A_615, %ge3A_621 : vector<512x1024xf32>
    %mul3A_623 = vector.broadcast %get3A_619 : f32 to vector<512x1024xf32>
    %mul3A_624 = arith.mulf %mul3A_623, %add3A_615 : vector<512x1024xf32>
    %select_n3A_625 = arith.select %ge3A_622, %add3A_615, %mul3A_624 : vector<512x1024xi1>, vector<512x1024xf32>
    %get3A_626 = arith.constant 0 : index
    %get3A_627 = arith.constant 0 : index
    %get3A_628 = vector.load %arg24[%get3A_626, %get3A_627] : memref<1024x64xf32, #tpu.memory_space<vmem>>, vector<1024x64xf32>
    %dot_general3A_629 = arith.constant dense<0.000000e+00> : vector<512x64xf32>
    %dot_general3A_630 = tpu.matmul %select_n3A_625, %get3A_628, %dot_general3A_629 {dimension_numbers = #tpu.dot_dimension_numbers<[1], [0], [0], [1], [0, 0, 1, 1], [], []>, transpose_lhs_hint = false} : vector<512x1024xf32>, vector<1024x64xf32>, vector<512x64xf32> -> vector<512x64xf32>
    %get3A_631 = arith.constant 0 : index
    %get3A_632 = arith.constant 0 : index
    %get3A_633 = vector.load %arg25[%get3A_631, %get3A_632] : memref<1x64xf32, #tpu.memory_space<vmem>>, vector<1x64xf32>
    %add3A_634 = vector.broadcast %get3A_633 : vector<1x64xf32> to vector<512x64xf32>
    %add3A_635 = arith.addf %dot_general3A_630, %add3A_634 : vector<512x64xf32>
    %get3A_636 = arith.constant 0 : index
    %get3A_637 = arith.constant 0 : index
    %get3A_638 = vector.load %arg45[%get3A_636, %get3A_637] : memref<1x1xf32, #tpu.memory_space<vmem>>, vector<1x1xf32>
    %get3A_639 = vector.extract %get3A_638[0, 0] : f32 from vector<1x1xf32>
    %ge3A_640 = arith.constant 0.000000e+00 : f32
    %ge3A_641 = vector.broadcast %ge3A_640 : f32 to vector<512x64xf32>
    %ge3A_642 = arith.cmpf oge, %add3A_635, %ge3A_641 : vector<512x64xf32>
    %mul3A_643 = vector.broadcast %get3A_639 : f32 to vector<512x64xf32>
    %mul3A_644 = arith.mulf %mul3A_643, %add3A_635 : vector<512x64xf32>
    %select_n3A_645 = arith.select %ge3A_642, %add3A_635, %mul3A_644 : vector<512x64xi1>, vector<512x64xf32>
    %get3A_646 = arith.constant 0 : index
    %get3A_647 = arith.constant 0 : index
    %get3A_648 = vector.load %arg26[%get3A_646, %get3A_647] : memref<256x1024xf32, #tpu.memory_space<vmem>>, vector<256x1024xf32>
    %dot_general3A_649 = arith.constant dense<0.000000e+00> : vector<512x1024xf32>
    %dot_general3A_650 = tpu.matmul %concatenate3A_605, %get3A_648, %dot_general3A_649 {dimension_numbers = #tpu.dot_dimension_numbers<[1], [0], [0], [1], [0, 0, 1, 1], [], []>, transpose_lhs_hint = false} : vector<512x256xf32>, vector<256x1024xf32>, vector<512x1024xf32> -> vector<512x1024xf32>
    %get3A_651 = arith.constant 0 : index
    %get3A_652 = arith.constant 0 : index
    %get3A_653 = vector.load %arg27[%get3A_651, %get3A_652] : memref<1x1024xf32, #tpu.memory_space<vmem>>, vector<1x1024xf32>
    %add3A_654 = vector.broadcast %get3A_653 : vector<1x1024xf32> to vector<512x1024xf32>
    %add3A_655 = arith.addf %dot_general3A_650, %add3A_654 : vector<512x1024xf32>
    %get3A_656 = arith.constant 0 : index
    %get3A_657 = arith.constant 0 : index
    %get3A_658 = vector.load %arg46[%get3A_656, %get3A_657] : memref<1x1xf32, #tpu.memory_space<vmem>>, vector<1x1xf32>
    %get3A_659 = vector.extract %get3A_658[0, 0] : f32 from vector<1x1xf32>
    %ge3A_660 = arith.constant 0.000000e+00 : f32
    %ge3A_661 = vector.broadcast %ge3A_660 : f32 to vector<512x1024xf32>
    %ge3A_662 = arith.cmpf oge, %add3A_655, %ge3A_661 : vector<512x1024xf32>
    %mul3A_663 = vector.broadcast %get3A_659 : f32 to vector<512x1024xf32>
    %mul3A_664 = arith.mulf %mul3A_663, %add3A_655 : vector<512x1024xf32>
    %select_n3A_665 = arith.select %ge3A_662, %add3A_655, %mul3A_664 : vector<512x1024xi1>, vector<512x1024xf32>
    %get3A_666 = arith.constant 0 : index
    %get3A_667 = arith.constant 0 : index
    %get3A_668 = vector.load %arg28[%get3A_666, %get3A_667] : memref<1024x64xf32, #tpu.memory_space<vmem>>, vector<1024x64xf32>
    %dot_general3A_669 = arith.constant dense<0.000000e+00> : vector<512x64xf32>
    %dot_general3A_670 = tpu.matmul %select_n3A_665, %get3A_668, %dot_general3A_669 {dimension_numbers = #tpu.dot_dimension_numbers<[1], [0], [0], [1], [0, 0, 1, 1], [], []>, transpose_lhs_hint = false} : vector<512x1024xf32>, vector<1024x64xf32>, vector<512x64xf32> -> vector<512x64xf32>
    %get3A_671 = arith.constant 0 : index
    %get3A_672 = arith.constant 0 : index
    %get3A_673 = vector.load %arg29[%get3A_671, %get3A_672] : memref<1x64xf32, #tpu.memory_space<vmem>>, vector<1x64xf32>
    %add3A_674 = vector.broadcast %get3A_673 : vector<1x64xf32> to vector<512x64xf32>
    %add3A_675 = arith.addf %dot_general3A_670, %add3A_674 : vector<512x64xf32>
    %get3A_676 = arith.constant 0 : index
    %get3A_677 = arith.constant 0 : index
    %get3A_678 = vector.load %arg47[%get3A_676, %get3A_677] : memref<1x1xf32, #tpu.memory_space<vmem>>, vector<1x1xf32>
    %get3A_679 = vector.extract %get3A_678[0, 0] : f32 from vector<1x1xf32>
    %ge3A_680 = arith.constant 0.000000e+00 : f32
    %ge3A_681 = vector.broadcast %ge3A_680 : f32 to vector<512x64xf32>
    %ge3A_682 = arith.cmpf oge, %add3A_675, %ge3A_681 : vector<512x64xf32>
    %mul3A_683 = vector.broadcast %get3A_679 : f32 to vector<512x64xf32>
    %mul3A_684 = arith.mulf %mul3A_683, %add3A_675 : vector<512x64xf32>
    %select_n3A_685 = arith.select %ge3A_682, %add3A_675, %mul3A_684 : vector<512x64xi1>, vector<512x64xf32>
    %get3A_686 = arith.constant 0 : index
    %get3A_687 = arith.constant 0 : index
    %get3A_688 = vector.load %arg30[%get3A_686, %get3A_687] : memref<128x256xf32, #tpu.memory_space<vmem>>, vector<64x256xf32>
    %dot_general3A_689 = arith.constant dense<0.000000e+00> : vector<512x256xf32>
    %dot_general3A_690 = tpu.matmul %select_n3A_685, %get3A_688, %dot_general3A_689 {dimension_numbers = #tpu.dot_dimension_numbers<[1], [0], [0], [1], [0, 0, 1, 1], [], []>, transpose_lhs_hint = false} : vector<512x64xf32>, vector<64x256xf32>, vector<512x256xf32> -> vector<512x256xf32>
    %get3A_691 = arith.constant 0 : index
    %get3A_692 = arith.constant 0 : index
    %get3A_693 = vector.load %arg31[%get3A_691, %get3A_692] : memref<1x256xf32, #tpu.memory_space<vmem>>, vector<1x256xf32>
    %add3A_694 = vector.broadcast %get3A_693 : vector<1x256xf32> to vector<512x256xf32>
    %add3A_695 = arith.addf %dot_general3A_690, %add3A_694 : vector<512x256xf32>
    %get3A_696 = arith.constant 64 : index
    %get3A_697 = arith.constant 0 : index
    %get3A_698 = vector.load %arg30[%get3A_696, %get3A_697] : memref<128x256xf32, #tpu.memory_space<vmem>>, vector<64x256xf32>
    %dot_general3A_699 = arith.constant dense<0.000000e+00> : vector<512x256xf32>
    %dot_general3A_700 = tpu.matmul %select_n3A_645, %get3A_698, %dot_general3A_699 {dimension_numbers = #tpu.dot_dimension_numbers<[1], [0], [0], [1], [0, 0, 1, 1], [], []>, transpose_lhs_hint = false} : vector<512x64xf32>, vector<64x256xf32>, vector<512x256xf32> -> vector<512x256xf32>
    %swap3A_701 = arith.constant 1 : index
    %swap3A_702 = arith.constant 0 : index
    %swap3A_703 = arith.constant 0 : index
    %swap3A_704 = vector.load %arg51[%swap3A_701, %swap3A_702, %swap3A_703] : memref<2x512x256xf32, #tpu.memory_space<vmem>>, vector<1x512x256xf32>
    %swap3A_705 = vector.shape_cast %swap3A_704 : vector<1x512x256xf32> to vector<512x256xf32>
    %swap3A_706 = vector.shape_cast %add3A_695 : vector<512x256xf32> to vector<1x512x256xf32>
    tpu.vector_store %arg51[%swap3A_701, %swap3A_702, %swap3A_703], %swap3A_706 {strides = array<i32>} : memref<2x512x256xf32, #tpu.memory_space<vmem>>, vector<1x512x256xf32>,
    %swap3A_707 = arith.constant 1 : index
    %swap3A_708 = arith.constant 0 : index
    %swap3A_709 = arith.constant 0 : index
    %swap3A_710 = vector.load %arg52[%swap3A_707, %swap3A_708, %swap3A_709] : memref<2x512x256xf32, #tpu.memory_space<vmem>>, vector<1x512x256xf32>
    %swap3A_711 = vector.shape_cast %swap3A_710 : vector<1x512x256xf32> to vector<512x256xf32>
    %swap3A_712 = vector.shape_cast %dot_general3A_700 : vector<512x256xf32> to vector<1x512x256xf32>
    tpu.vector_store %arg52[%swap3A_707, %swap3A_708, %swap3A_709], %swap3A_712 {strides = array<i32>} : memref<2x512x256xf32, #tpu.memory_space<vmem>>, vector<1x512x256xf32>,
    %get3A_713 = arith.constant 0 : index
    %get3A_714 = arith.constant 0 : index
    %get3A_715 = vector.load %arg48[%get3A_713, %get3A_714] : memref<256x256xf32, #tpu.memory_space<vmem>>, vector<256x256xf32>
    %dot_general3A_716 = arith.constant dense<0.000000e+00> : vector<512x256xf32>
    %dot_general3A_717 = tpu.matmul %add3A_695, %get3A_715, %dot_general3A_716 {dimension_numbers = #tpu.dot_dimension_numbers<[1], [0], [0], [1], [0, 0, 1, 1], [], []>, transpose_lhs_hint = false} : vector<512x256xf32>, vector<256x256xf32>, vector<512x256xf32> -> vector<512x256xf32>
    %mul3A_718 = vector.broadcast %get3A_4 : f32 to vector<512x256xf32>
    %mul3A_719 = arith.mulf %mul3A_718, %dot_general3A_717 : vector<512x256xf32>
    %get3A_720 = arith.constant 0 : index
    %get3A_721 = arith.constant 0 : index
    %get3A_722 = vector.load %arg49[%get3A_720, %get3A_721] : memref<1x256xf32, #tpu.memory_space<vmem>>, vector<1x256xf32>
    %add3A_723 = vector.broadcast %get3A_722 : vector<1x256xf32> to vector<512x256xf32>
    %add3A_724 = arith.addf %mul3A_719, %add3A_723 : vector<512x256xf32>
    %get3A_725 = arith.constant 0 : index
    %get3A_726 = arith.constant 0 : index
    %get3A_727 = vector.load %arg48[%get3A_725, %get3A_726] : memref<256x256xf32, #tpu.memory_space<vmem>>, vector<256x256xf32>
    %dot_general3A_728 = arith.constant dense<0.000000e+00> : vector<512x256xf32>
    %dot_general3A_729 = tpu.matmul %dot_general3A_700, %get3A_727, %dot_general3A_728 {dimension_numbers = #tpu.dot_dimension_numbers<[1], [0], [0], [1], [0, 0, 1, 1], [], []>, transpose_lhs_hint = false} : vector<512x256xf32>, vector<256x256xf32>, vector<512x256xf32> -> vector<512x256xf32>
    %mul3A_730 = vector.broadcast %get3A_4 : f32 to vector<512x256xf32>
    %mul3A_731 = arith.mulf %mul3A_730, %dot_general3A_729 : vector<512x256xf32>
    %swap3A_732 = arith.constant 1 : index
    %swap3A_733 = arith.constant 0 : index
    %swap3A_734 = arith.constant 0 : index
    %swap3A_735 = vector.load %arg53[%swap3A_732, %swap3A_733, %swap3A_734] : memref<2x512x256xf32, #tpu.memory_space<vmem>>, vector<1x512x256xf32>
    %swap3A_736 = vector.shape_cast %swap3A_735 : vector<1x512x256xf32> to vector<512x256xf32>
    %swap3A_737 = vector.shape_cast %add3A_724 : vector<512x256xf32> to vector<1x512x256xf32>
    tpu.vector_store %arg53[%swap3A_732, %swap3A_733, %swap3A_734], %swap3A_737 {strides = array<i32>} : memref<2x512x256xf32, #tpu.memory_space<vmem>>, vector<1x512x256xf32>,
    %swap3A_738 = arith.constant 1 : index
    %swap3A_739 = arith.constant 0 : index
    %swap3A_740 = arith.constant 0 : index
    %swap3A_741 = vector.load %arg54[%swap3A_738, %swap3A_739, %swap3A_740] : memref<2x512x256xf32, #tpu.memory_space<vmem>>, vector<1x512x256xf32>
    %swap3A_742 = vector.shape_cast %swap3A_741 : vector<1x512x256xf32> to vector<512x256xf32>
    %swap3A_743 = vector.shape_cast %mul3A_731 : vector<512x256xf32> to vector<1x512x256xf32>
    tpu.vector_store %arg54[%swap3A_738, %swap3A_739, %swap3A_740], %swap3A_743 {strides = array<i32>} : memref<2x512x256xf32, #tpu.memory_space<vmem>>, vector<1x512x256xf32>,
    return
  }
}

module attributes {stable_mosaic.version = 14 : i64} {
  func.func @_dec_body(%arg0: i32, %arg1: i32, %arg2: memref<1x64x256xf32, #tpu.memory_space<vmem>>, %arg3: memref<1x512x256xf32, #tpu.memory_space<vmem>>, %arg4: memref<1x64x256xf32, #tpu.memory_space<vmem>>, %arg5: memref<1x512x256xf32, #tpu.memory_space<vmem>>, %arg6: memref<256x256xf32, #tpu.memory_space<vmem>>, %arg7: memref<1x256xf32, #tpu.memory_space<vmem>>, %arg8: memref<1x1xf32, #tpu.memory_space<vmem>>, %arg9: memref<1x1xf32, #tpu.memory_space<vmem>>, %arg10: memref<1x64x512xf32, #tpu.memory_space<vmem>>) attributes {dimension_semantics = [#tpu.dimension_semantics<parallel>, #tpu.dimension_semantics<parallel>], iteration_bounds = array<i64: 2, 8>, scalar_prefetch = 0 : i64, scratch_operands = 0 : i64, tpu.core_type = #tpu.core_type<tc>, window_params = [{transform_indices = @transform_0, window_bounds = array<i64: 1, 64, 256>}, {transform_indices = @transform_1, window_bounds = array<i64: 1, 512, 256>}, {transform_indices = @transform_2, window_bounds = array<i64: 1, 64, 256>}, {transform_indices = @transform_3, window_bounds = array<i64: 1, 512, 256>}, {pipeline_mode = #tpu.pipeline_mode<synchronous>, transform_indices = @transform_4, window_bounds = array<i64: 256, 256>}, {pipeline_mode = #tpu.pipeline_mode<synchronous>, transform_indices = @transform_5, window_bounds = array<i64: 1, 256>}, {pipeline_mode = #tpu.pipeline_mode<synchronous>, transform_indices = @transform_6, window_bounds = array<i64: 1, 1>}, {pipeline_mode = #tpu.pipeline_mode<synchronous>, transform_indices = @transform_7, window_bounds = array<i64: 1, 1>}, {transform_indices = @transform_8, window_bounds = array<i64: 1, 64, 512>}]} {
    %get3A = arith.constant 0 : index
    %get3A_0 = arith.constant 0 : index
    %get3A_1 = arith.constant 0 : index
    %get3A_2 = vector.load %arg2[%get3A, %get3A_0, %get3A_1] : memref<1x64x256xf32, #tpu.memory_space<vmem>>, vector<1x64x256xf32>
    %get3A_3 = vector.shape_cast %get3A_2 : vector<1x64x256xf32> to vector<64x256xf32>
    %get3A_4 = arith.constant 0 : index
    %get3A_5 = arith.constant 0 : index
    %get3A_6 = arith.constant 0 : index
    %get3A_7 = vector.load %arg3[%get3A_4, %get3A_5, %get3A_6] : memref<1x512x256xf32, #tpu.memory_space<vmem>>, vector<1x512x256xf32>
    %get3A_8 = vector.shape_cast %get3A_7 : vector<1x512x256xf32> to vector<512x256xf32>
    %get3A_9 = arith.constant 0 : index
    %get3A_10 = arith.constant 0 : index
    %get3A_11 = vector.load %arg9[%get3A_9, %get3A_10] : memref<1x1xf32, #tpu.memory_space<vmem>>, vector<1x1xf32>
    %get3A_12 = vector.extract %get3A_11[0, 0] : f32 from vector<1x1xf32>
    %broadcast_in_dim3A = vector.shape_cast %get3A_3 : vector<64x256xf32> to vector<64x1x256xf32>
    %broadcast_in_dim3A_13 = vector.shape_cast %get3A_8 : vector<512x256xf32> to vector<1x512x256xf32>
    %add3A = vector.broadcast %broadcast_in_dim3A : vector<64x1x256xf32> to vector<64x512x256xf32>
    %add3A_14 = vector.broadcast %broadcast_in_dim3A_13 : vector<1x512x256xf32> to vector<64x512x256xf32>
    %add3A_15 = arith.addf %add3A, %add3A_14 : vector<64x512x256xf32>
    %max3A = arith.constant 0.000000e+00 : f32
    %max3A_16 = vector.broadcast %max3A : f32 to vector<64x512x256xf32>
    %max3A_17 = arith.maximumf %add3A_15, %max3A_16 : vector<64x512x256xf32>
    %reshape3A = vector.shape_cast %max3A_17 : vector<64x512x256xf32> to vector<32768x256xf32>
    %get3A_18 = arith.constant 0 : index
    %get3A_19 = arith.constant 0 : index
    %get3A_20 = vector.load %arg6[%get3A_18, %get3A_19] : memref<256x256xf32, #tpu.memory_space<vmem>>, vector<256x256xf32>
    %dot_general3A = arith.constant dense<0.000000e+00> : vector<32768x256xf32>
    %dot_general3A_21 = tpu.matmul %reshape3A, %get3A_20, %dot_general3A {dimension_numbers = #tpu.dot_dimension_numbers<[1], [0], [0], [1], [0, 0, 1, 1], [], []>, transpose_lhs_hint = false} : vector<32768x256xf32>, vector<256x256xf32>, vector<32768x256xf32> -> vector<32768x256xf32>
    %reshape3A_22 = vector.shape_cast %dot_general3A_21 : vector<32768x256xf32> to vector<64x512x256xf32>
    %get3A_23 = arith.constant 0 : index
    %get3A_24 = arith.constant 0 : index
    %get3A_25 = arith.constant 0 : index
    %get3A_26 = vector.load %arg4[%get3A_23, %get3A_24, %get3A_25] : memref<1x64x256xf32, #tpu.memory_space<vmem>>, vector<1x64x256xf32>
    %get3A_27 = vector.shape_cast %get3A_26 : vector<1x64x256xf32> to vector<64x256xf32>
    %broadcast_in_dim3A_28 = vector.shape_cast %get3A_27 : vector<64x256xf32> to vector<64x1x256xf32>
    %add3A_29 = vector.broadcast %broadcast_in_dim3A_28 : vector<64x1x256xf32> to vector<64x512x256xf32>
    %add3A_30 = arith.addf %reshape3A_22, %add3A_29 : vector<64x512x256xf32>
    %get3A_31 = arith.constant 0 : index
    %get3A_32 = arith.constant 0 : index
    %get3A_33 = arith.constant 0 : index
    %get3A_34 = vector.load %arg5[%get3A_31, %get3A_32, %get3A_33] : memref<1x512x256xf32, #tpu.memory_space<vmem>>, vector<1x512x256xf32>
    %get3A_35 = vector.shape_cast %get3A_34 : vector<1x512x256xf32> to vector<512x256xf32>
    %broadcast_in_dim3A_36 = vector.shape_cast %get3A_35 : vector<512x256xf32> to vector<1x512x256xf32>
    %add3A_37 = vector.broadcast %broadcast_in_dim3A_36 : vector<1x512x256xf32> to vector<64x512x256xf32>
    %add3A_38 = arith.addf %add3A_30, %add3A_37 : vector<64x512x256xf32>
    %ge3A = arith.constant 0.000000e+00 : f32
    %ge3A_39 = vector.broadcast %ge3A : f32 to vector<64x512x256xf32>
    %ge3A_40 = arith.cmpf oge, %add3A_38, %ge3A_39 : vector<64x512x256xf32>
    %mul3A = vector.broadcast %get3A_12 : f32 to vector<64x512x256xf32>
    %mul3A_41 = arith.mulf %mul3A, %add3A_38 : vector<64x512x256xf32>
    %select_n3A = arith.select %ge3A_40, %add3A_38, %mul3A_41 : vector<64x512x256xi1>, vector<64x512x256xf32>
    %reshape3A_42 = vector.shape_cast %select_n3A : vector<64x512x256xf32> to vector<32768x256xf32>
    %get3A_43 = arith.constant 0 : index
    %get3A_44 = arith.constant 0 : index
    %get3A_45 = vector.load %arg7[%get3A_43, %get3A_44] : memref<1x256xf32, #tpu.memory_space<vmem>>, vector<1x256xf32>
    %dot_general3A_46 = arith.constant dense<0.000000e+00> : vector<1x32768xf32>
    %dot_general3A_47 = tpu.matmul %get3A_45, %reshape3A_42, %dot_general3A_46 {dimension_numbers = #tpu.dot_dimension_numbers<[1], [1], [0], [0], [0, 0, 1, 0], [], []>, transpose_lhs_hint = false} : vector<1x256xf32>, vector<32768x256xf32>, vector<1x32768xf32> -> vector<1x32768xf32>
    %reshape3A_48 = vector.shape_cast %dot_general3A_47 : vector<1x32768xf32> to vector<64x512xf32>
    %get3A_49 = arith.constant 0 : index
    %get3A_50 = arith.constant 0 : index
    %get3A_51 = vector.load %arg8[%get3A_49, %get3A_50] : memref<1x1xf32, #tpu.memory_space<vmem>>, vector<1x1xf32>
    %get3A_52 = vector.extract %get3A_51[0, 0] : f32 from vector<1x1xf32>
    %add3A_53 = vector.broadcast %get3A_52 : f32 to vector<64x512xf32>
    %add3A_54 = arith.addf %reshape3A_48, %add3A_53 : vector<64x512xf32>
    %logistic3A = arith.negf %add3A_54 : vector<64x512xf32>
    %logistic3A_55 = math.exp %logistic3A : vector<64x512xf32>
    %logistic3A_56 = arith.constant 1.000000e+00 : f32
    %logistic3A_57 = vector.broadcast %logistic3A_56 : f32 to vector<64x512xf32>
    %logistic3A_58 = arith.addf %logistic3A_57, %logistic3A_55 : vector<64x512xf32>
    %logistic3A_59 = arith.divf %logistic3A_57, %logistic3A_58 : vector<64x512xf32>
    %swap3A = arith.constant 0 : index
    %swap3A_60 = arith.constant 0 : index
    %swap3A_61 = arith.constant 0 : index
    %swap3A_62 = vector.load %arg10[%swap3A, %swap3A_60, %swap3A_61] : memref<1x64x512xf32, #tpu.memory_space<vmem>>, vector<1x64x512xf32>
    %swap3A_63 = vector.shape_cast %swap3A_62 : vector<1x64x512xf32> to vector<64x512xf32>
    %swap3A_64 = vector.shape_cast %logistic3A_59 : vector<64x512xf32> to vector<1x64x512xf32>
    tpu.vector_store %arg10[%swap3A, %swap3A_60, %swap3A_61], %swap3A_64 {strides = array<i32>} : memref<1x64x512xf32, #tpu.memory_space<vmem>>, vector<1x64x512xf32>,
    return
  }
  func.func @transform_0(%arg0: i32, %arg1: i32) -> (i32, i32, i32) {
    %c0_i32 = arith.constant 0 : i32
    %c0_i32_0 = arith.constant 0 : i32
    return %arg0, %arg1, %c0_i32 : i32, i32, i32
  }
  func.func @transform_1(%arg0: i32, %arg1: i32) -> (i32, i32, i32) {
    %c0_i32 = arith.constant 0 : i32
    %c0_i32_0 = arith.constant 0 : i32
    %c0_i32_1 = arith.constant 0 : i32
    return %arg0, %c0_i32, %c0_i32_0 : i32, i32, i32
  }
  func.func @transform_2(%arg0: i32, %arg1: i32) -> (i32, i32, i32) {
    %c0_i32 = arith.constant 0 : i32
    %c0_i32_0 = arith.constant 0 : i32
    return %arg0, %arg1, %c0_i32 : i32, i32, i32
  }
  func.func @transform_3(%arg0: i32, %arg1: i32) -> (i32, i32, i32) {
    %c0_i32 = arith.constant 0 : i32
    %c0_i32_0 = arith.constant 0 : i32
    %c0_i32_1 = arith.constant 0 : i32
    return %arg0, %c0_i32, %c0_i32_0 : i32, i32, i32
  }
  func.func @transform_4(%arg0: i32, %arg1: i32) -> (i32, i32) {
    %c0_i32 = arith.constant 0 : i32
    %c0_i32_0 = arith.constant 0 : i32
    %c0_i32_1 = arith.constant 0 : i32
    return %c0_i32, %c0_i32_0 : i32, i32
  }
  func.func @transform_5(%arg0: i32, %arg1: i32) -> (i32, i32) {
    %c0_i32 = arith.constant 0 : i32
    %c0_i32_0 = arith.constant 0 : i32
    %c0_i32_1 = arith.constant 0 : i32
    return %c0_i32, %c0_i32_0 : i32, i32
  }
  func.func @transform_6(%arg0: i32, %arg1: i32) -> (i32, i32) {
    %c0_i32 = arith.constant 0 : i32
    %c0_i32_0 = arith.constant 0 : i32
    %c0_i32_1 = arith.constant 0 : i32
    return %c0_i32, %c0_i32_0 : i32, i32
  }
  func.func @transform_7(%arg0: i32, %arg1: i32) -> (i32, i32) {
    %c0_i32 = arith.constant 0 : i32
    %c0_i32_0 = arith.constant 0 : i32
    %c0_i32_1 = arith.constant 0 : i32
    return %c0_i32, %c0_i32_0 : i32, i32
  }
  func.func @transform_8(%arg0: i32, %arg1: i32) -> (i32, i32, i32) {
    %c0_i32 = arith.constant 0 : i32
    %c0_i32_0 = arith.constant 0 : i32
    return %arg0, %arg1, %c0_i32 : i32, i32, i32
  }
}

</mosaic_0001>

<sc_bundles>
// kernel: kernel.5.cloned.1.call-start
scs
__scs_entry_jumppad:
0x0: {  	(pc) =	sbr.rel $0x88, $3  }
0x1: {  	(tag) =	ssettag $0x0;
	lr =	simm.s32 $0x1  }
0x2: {  	[smem:$0x3F68] =	sst lr;
	_ =	strace $0xD0000000  }
0x3: {  	_ = 	snop  }
0x4: {  	_ = 	snop  }
0x5: {  	_ = 	snop  }
0x6: {  	_ = 	snop  }
0x7: {  	_ = 	snop  }
__scs_overlays_trampoline_lowered:
0x8: {  	[smem:$0x3F77] =	sst s0  }
0x9: {  	[smem:$0x3F78] =	sst s1  }
0xa: {  	[smem:$0x3F79] =	sst s2  }
0xb: {  	[smem:$0x3F7A] =	sst s3  }
0xc: {  	[smem:$0x3F7B] =	sst s4  }
0xd: {  	[smem:$0x3F7C] =	sst s5  }
0xe: {  	[smem:$0x3F7D] =	sst s6  }
0xf: {  	[smem:$0x3F7E] =	sst s7  }
0x10: {  	[smem:$0x3F7F] =	sst s8  }
0x11: {  	[smem:$0x3F80] =	sst s9;
	s0 =	simm.s32 @!p0 $0x0  }
0x12: {  	s1 =	sld [smem:$0x3F66];
	s0 =	simm.s32 @p0 $0x1  }
0x13: {  	[smem:$0x3F81] =	sst s0;
	s0 =	simm.s32 @!p1 $0x0  }
0x14: {  	s2 =	sld [smem:$0x3F65];
	s0 =	simm.s32 @p1 $0x1  }
0x15: {  	[smem:$0x3F82] =	sst s0;
	s0 =	simm.s32 @!p2 $0x0  }
0x16: {  	s3 =	sld [smem:$0x3FDB];
	s0 =	simm.s32 @p2 $0x1  }
0x17: {  	s4 =	simm.s32 $0x1BF5;
	[smem:$0x3F84] =	sst s0  }
0x18: {  	s0 =	sld [smem:$0x3F67];
	_ =	swait.ge [sflag:s4], $0x0  }
0x19: {  	s7 =	sld [smem:$0x3F68]  }
0x1a: {  	s8 =	sadd.s32 $0xFFFFE003, lr  }
0x1b: {  	s9 =	sadd.s32 $0xFFFFFEF7, lr;
	s5 =	simm.s32 $0xFFFFFFFF;
	p2 =	slt.u32 s8, $0xFFFFF086  }
0x1c: {  	p1 =	slt.u32 s9, $0xF7A;
	s5 =	simm.s32 @!p2 $0x0  }
0x1d: {  	s5 =	simm.s32 @p1 $0x1;
	p0 =	seq.s32 s7, s2  }
0x1e: {  	s7 =	smul.u32 @!p0 $0xF7A, s2;
	p2 =	seq.s32 @!p0 s5, $0x0  }
0x1f: {  	s9 =	smul.u32 $0xF7A, s1;
	s8 =	simm.s32 @!p0 $0x1BF5;
	p2 =	por !p2, p0  }
0x20: {  	[sflag:s8] =	ssyncset.s32 @!p0 $0xFFFFF086;
	s6 =	sadd.s32 @!p0 s3, s7;
	s7 =	simm.s32 @!p0 $0x108  }
0x21: {  	s3 =	sadd.s32 s3, s9;
	s6 =	sadd.s32 @!p0 $0x88, s6;
	s7 =	simm.s32 @p2 $0x1082  }
0x22: {  	[simem:s7], [sflag:s8] =	dma.local @!p0 [hbm:s6], $0xF7A  }
0x23: {  	s9 =	sor.u32 $0xD0000000, s2;
	s6 =	simm.s32 $0x108;
	_ =	swait.ge @!p0 [sflag:s8], $0x0  }
0x24: {  	s3 =	sadd.s32 $0x88, s3;
	s6 =	simm.s32 @!p1 $0x1082;
	[sflag:s4] =	ssyncset.s32 $0xFFFFF086  }
0x25: {  	[simem:s6], [sflag:s4] =	dma.local [hbm:s3], $0xF7A  }
0x26: {  	[smem:$0x3F68] =	sst s1;
	(tag) =	ssettag s2;
	_ =	strace s9  }
0x27: {  	s1 =	sld [smem:$0x3F78]  }
0x28: {  	s2 =	sld [smem:$0x3F79]  }
0x29: {  	s4 =	sld [smem:$0x3F7B]  }
0x2a: {  	p0 =	seq.s32 s5, $0x0;
	s5 =	sld [smem:$0x3F7C]  }
0x2b: {  	s6 =	sld [smem:$0x3F7D]  }
0x2c: {  	s7 =	sld [smem:$0x3F7E]  }
0x2d: {  	s3 =	simm.s32 $0x108;
	s8 =	sld [smem:$0x3F7F]  }
0x2e: {  	s3 =	simm.s32 @!p0 $0x1082;
	s9 =	sld [smem:$0x3F80]  }
0x2f: {  	lr =	sadd.s32 s0, s3;
	s0 =	sld [smem:$0x3F77]  }
0x30: {  	s3 =	sld [smem:$0x3F7A]  }
0x31: {  	[smem:$0x3F83] =	sst s10  }
0x32: {  	s10 =	sld [smem:$0x3F81];
	_ =	sdelay $0x3  }
0x33: {  	p0 =	seq.s32 s10, $0x1;
	s10 =	sld [smem:$0x3F83];
	_ =	sdelay $0x3  }
0x34: {  	[smem:$0x3F83] =	sst s10  }
0x35: {  	s10 =	sld [smem:$0x3F82];
	_ =	sdelay $0x3  }
0x36: {  	p1 =	seq.s32 s10, $0x1;
	s10 =	sld [smem:$0x3F83];
	_ =	sdelay $0x3  }
0x37: {  	[smem:$0x3F83] =	sst s10  }
0x38: {  	s10 =	sld [smem:$0x3F84]  }
0x39: {  	_ = 	snop;
	(pc) =	sbr.ind lr, $3  }
0x3a: {  	_ = 	snop  }
0x3b: {  	_ = 	snop  }
0x3c: {  	p2 =	seq.s32 s10, $0x1;
	s10 =	sld [smem:$0x3F83]  }
0x3d: {  	_ =	shalt  }
0x3e: {  	_ =	shalt  }
0x3f: {  	_ =	shalt  }
0x40: {  	_ =	shalt  }
0x41: {  	_ =	shalt  }
0x42: {  	_ =	shalt  }
0x43: {  	_ =	shalt  }
0x44: {  	_ =	shalt  }
0x45: {  	_ =	shalt  }
0x46: {  	_ =	shalt  }
0x47: {  	_ =	shalt  }
0x48: {  	_ =	shalt  }
0x49: {  	_ =	shalt  }
0x4a: {  	_ =	shalt  }
0x4b: {  	_ =	shalt  }
0x4c: {  	_ =	shalt  }
0x4d: {  	_ =	shalt  }
0x4e: {  	_ =	shalt  }
0x4f: {  	_ =	shalt  }
0x50: {  	_ =	shalt  }
0x51: {  	_ =	shalt  }
0x52: {  	_ =	shalt  }
0x53: {  	_ =	shalt  }
0x54: {  	_ =	shalt  }
0x55: {  	_ =	shalt  }
0x56: {  	_ =	shalt  }
0x57: {  	_ =	shalt  }
0x58: {  	_ =	shalt  }
0x59: {  	_ =	shalt  }
0x5a: {  	_ =	shalt  }
0x5b: {  	_ =	shalt  }
0x5c: {  	_ =	shalt  }
0x5d: {  	_ =	shalt  }
0x5e: {  	_ =	shalt  }
0x5f: {  	_ =	shalt  }
0x60: {  	_ =	shalt  }
0x61: {  	_ =	shalt  }
0x62: {  	_ =	shalt  }
0x63: {  	_ =	shalt  }
0x64: {  	_ =	shalt  }
0x65: {  	_ =	shalt  }
0x66: {  	_ =	shalt  }
0x67: {  	_ =	shalt  }
0x68: {  	_ =	shalt  }
0x69: {  	_ =	shalt  }
0x6a: {  	_ =	shalt  }
0x6b: {  	_ =	shalt  }
0x6c: {  	_ =	shalt  }
0x6d: {  	_ =	shalt  }
0x6e: {  	_ =	shalt  }
0x6f: {  	_ =	shalt  }
0x70: {  	_ =	shalt  }
0x71: {  	_ =	shalt  }
0x72: {  	_ =	shalt  }
0x73: {  	_ =	shalt  }
0x74: {  	_ =	shalt  }
0x75: {  	_ =	shalt  }
0x76: {  	_ =	shalt  }
0x77: {  	_ =	shalt  }
0x78: {  	_ =	shalt  }
0x79: {  	_ =	shalt  }
0x7a: {  	_ =	shalt  }
0x7b: {  	_ =	shalt  }
0x7c: {  	_ =	shalt  }
0x7d: {  	_ =	shalt  }
0x7e: {  	_ =	shalt  }
0x7f: {  	_ =	shalt  }
0x80: {  	_ =	shalt  }
0x81: {  	_ =	shalt  }
0x82: {  	_ =	shalt  }
0x83: {  	_ =	shalt  }
0x84: {  	_ =	shalt  }
0x85: {  	_ =	shalt  }
0x86: {  	_ =	shalt  }
0x87: {  	_ =	shalt  }
.Lfunc_end0:
.L_simem_size_0:
called_computation_lowered:
.L_overlay_start_0:
0x88: {  	s2 =	sld [smem:$0x3FD9]  }
0x89: {  	s3 =	sld [smem:$0x3FFE];
	_ =	sdelay $0x1  }
0x8a: {  	s1 =	srdreg.scid  }
0x8b: {  	s0 =	sand.u32 $0x1, s1  }
0x8c: {  	s17 =	sshll.u32 s0, $0xA;
	s2 =	sadd.s32 s3, s2  }
0x8d: {  	s2 =	sadd.s32 s2, s17  }
0x8e: {  	[smem:$0x3F8F] =	sst s2  }
0x8f: {  	_ = 	snop  }
0x90: {  	s2 =	sld [smem:$0x3FD0];
	(tm) =	ssettm $0x1  }
0x91: {  	s18 =	sld [smem:$0x3FFB];
	_ =	sdelay $0x3  }
0x92: {  	_ =	strace s18  }
0x93: {  	s3 =	sld [smem:$0x3FFC];
	_ =	sdelay $0x3  }
0x94: {  	_ =	strace s3  }
0x95: {  	s3 =	sld [smem:$0x3FFD];
	_ =	sdelay $0x3  }
0x96: {  	_ =	strace s3  }
0x97: {  	_ =	strace $0x8FFFFFFF  }
0x98: {  	s19 =	sld [smem:$0x3FDB];
	_ =	sdelay $0x1  }
0x99: {  	s4 =	simm.s32 $_scs_section_size  }
0x9a: {  	s5 =	simm.s32 $_size__tile_overlayer_lowered;
	s6 =	simm.s32 $_tile_overlayer_lowered  }
0x9b: {  	s22 =	simm.s32 $0x1BFF;
	s21 =	sshll.u32 s6, $0x1;
	s3 =	sadd.s32 s4, s19  }
0x9c: {  	s7 =	simm.s32 $0x0;
	s20 =	sshll.u32 s5, $0x1;
	s5 =	sadd.s32 s21, s3  }
0x9d: {  	[timem:s7], [sflag:s22] =	dma.local [hbm:s5], s20  }
0x9e: {  	_ =	swait.ge [sflag:s22], s20  }
0x9f: {  	s4 =	ssub.s32 $0x0, s20;
	[sflag:s22] =	ssyncset.done $0x0  }
0xa0: {  	[sflag:s22] =	ssyncadd.s32 s4;
	_ =	sdelay $0x1  }
0xa1: {  	s23 =	simm.s32 $0x1B8B  }
0xa2: {  	_ =	swait.ge [sflag:s23], $0x1  }
0xa3: {  	[sflag:s23] =	ssyncset.done $0x0  }
0xa4: {  	s25 =	simm.s32 $0x1B8E;
	s24 =	sld [smem:$0x3FFE];
	[sflag:s23] =	ssyncadd.s32 $0xFFFFFFFF  }
0xa5: {  	s26 =	simm.s32 $execute0_lowered;
	[smem:$0x3FD2] =	sst s25  }
0xa6: {  	s5 =	sshll.u32 s26, $0x1;
	_ =	strace $0x80000046;
	[dreg:$0x1] =	wrdreg $0xFFFFFFFF  }
0xa7: {  	s28 =	simm.s32 $_size_execute0_lowered;
	s3 =	sadd.s32 s3, s5;
	[dreg:$0x0] =	wrdreg $0x0  }
0xa8: {  	s5 =	sshll.u32 s28, $0x1;
	[dreg:$0x2] =	wrdreg s3  }
0xa9: {  	[dreg:$0x3] =	wrdreg s5  }
0xaa: {  	[dreg:$0x4] =	wrdreg $0xC0  }
0xab: {  	_ =	task [dreg:s7], $0x5FFFF  }
0xac: {  	[dreg:$0x1] =	wrdreg $0xFFFFFFFF  }
0xad: {  	[dreg:$0x0] =	wrdreg $0x60  }
0xae: {  	[dreg:$0x2] =	wrdreg s2  }
0xaf: {  	[dreg:$0x3] =	wrdreg s24  }
0xb0: {  	[dreg:$0x4] =	wrdreg $0x10000  }
0xb1: {  	[dreg:$0x5] =	wrdreg $0x50000  }
0xb2: {  	[dreg:$0x6] =	wrdreg $0x9  }
0xb3: {  	_ =	task.clear_ibuf [dreg:s7], $0x7FFFF;
	_ =	strace $0x90000046  }
0xb4: {  	s29 =	simm.s32 $0x9;
	_ =	strace $0x80000048  }
0xb5: {  	_ =	swait.ge [sflag:s29], $0x1  }
0xb6: {  	[sflag:s29] =	ssyncadd.s32 $0xFFFFFFFF  }
0xb7: {  	_ =	strace $0x90000048  }
0xb8: {  	_ =	sfence  }
0xb9: {  	s30 =	sld [smem:$0x0];
	_ =	sdelay $0x2  }
0xba: {  	s31 =	sshll.u32 s1, $0xD;
	s1 =	sshrl.u32 s1, $0x2  }
0xbb: {  	s3 =	sand.u32 $0x4000, s31;
	s1 =	sadd.s32 s1, s30  }
0xbc: {  	s0 =	sor.u32 s3, s0;
	s1 =	sshll.u32 s1, $0x11  }
0xbd: {  	s0 =	sor.u32 s1, s0  }
0xbe: {  	s0 =	sadd.s32 $0x8F2B, s0  }
0xbf: {  	[sflag:s0] =	ssyncadd.remote.s32 $0x1  }
0xc0: {  	_ =	sfence.sel $0xFFFF  }
0xc1: {  	[dreg:$0x0] =	wrdreg $0xFFFFFFFF;
	(pc) =	sbr.abs _section_cstart, $3  }
0xc2: {  	[dreg:$0x1] =	wrdreg $0xFFFFFFFF  }
0xc3: {  	_ =	task.clear_ibuf [dreg:s7], $0x2FFFF;
	_ =	strace $0x9FFFFFFF  }
0xc4: {  	(tm) =	ssettm $0x7FFFFFFF  }
0xc5: {  	_ =	shalt  }
tec
execute0_lowered:
.L_overlay_start_1:
0x0: {  	(tag) =	ssettag $0x1  }
0x1: {  	s0 =	rddreg [dreg:$0x0]  }
0x2: {  	s5 =	rddreg [dreg:$0x1]  }
0x3: {  	s2 =	rddreg [dreg:$0x2]  }
0x4: {  	s3 =	rddreg [dreg:$0x3];
	s4 =	simm.s32 $0x0;
	s6 =	srdreg.scid  }
0x5: {  	s1 =	stileid.u32;
	s22 =	simm.s32 $0x880;
	[smem:$0x7FF] =	sst s4  }
0x6: {  	s23 =	simm.s32 $0x100;
	_ =	strace $0x80000047;
	[dreg:$0xb] =	wrdreg s22  }
0x7: {  	s24 =	simm.s32 $0x900;
	s25 =	simm.s32 $0x180;
	[dreg:$0xc] =	wrdreg s23  }
0x8: {  	s26 =	simm.s32 $0x980;
	s15 =	simm.s32 $0x480;
	[dreg:$0xd] =	wrdreg s24  }
0x9: {  	s28 =	sand.u32 $0x1, s6;
	s16 =	sshll.u32 s1, $0xA;
	[dreg:$0xe] =	wrdreg s25  }
0xa: {  	s7 =	sshll.u32 s28, $0xF;
	s9 =	sshllo.u32 s28, $0x1;
	[dreg:$0xf] =	wrdreg s26  }
0xb: {  	[dreg:$0x18] =	wrdreg s15;
	s7 =	sor.u32 s16, s7;
	s11 =	sshll.u32 s9, $0xE  }
0xc: {  	s19 =	sshll.u32 s9, $0x7;
	s9 =	simm.s32 $0xA80;
	s7 =	sshrl.u32 s7, $0x3  }
0xd: {  	s6 =	sor.u32 s16, s11;
	[dreg:$0x13] =	wrdreg s9;
	s11 =	simm.s32 $0xB00  }
0xe: {  	s8 =	sadd.s32 $0x6E00, s5;
	s13 =	sadd.s32 s0, s7;
	[dreg:$0x15] =	wrdreg s11  }
0xf: {  	s7 =	sadd.s32 s8, s7;
	s6 =	sshrl.u32 s6, $0x3;
	[dreg:$0x5] =	wrdreg s13  }
0x10: {  	s12 =	sshll.u32 s1, $0x10;
	[dreg:$0x6] =	wrdreg s7;
	s0 =	sadd.s32 s0, s6  }
0x11: {  	s17 =	sshll.u32 s28, $0x8;
	s6 =	sadd.s32 s8, s6;
	[dreg:$0x7] =	wrdreg s0  }
0x12: {  	s18 =	sor.u32 s17, s12;
	s8 =	simm.s32 $0x280;
	[dreg:$0x8] =	wrdreg s6  }
0x13: {  	s7 =	sor.u32 s12, s19;
	s12 =	simm.s32 $0x380;
	[dreg:$0x12] =	wrdreg s8  }
0x14: {  	s13 =	simm.s32 $0xB80;
	[dreg:$0x16] =	wrdreg s12  }
0x15: {  	s10 =	sadd.s32 $0x9600, s5;
	s19 =	simm.s32 $0x500;
	[dreg:$0x17] =	wrdreg s13  }
0x16: {  	s5 =	sadd.s32 $0x8E00, s5;
	s6 =	simm.s32 $0x200;
	[dreg:$0x1a] =	wrdreg s19  }
0x17: {  	s20 =	sshrl.u32 s7, $0x3;
	s7 =	simm.s32 $0xA00;
	[dreg:$0x10] =	wrdreg s6  }
0x18: {  	s0 =	sshrl.u32 s18, $0x3;
	s18 =	simm.s32 $0xC80;
	[dreg:$0x11] =	wrdreg s7  }
0x19: {  	s14 =	sshll.u32 s1, $0xE;
	s0 =	sadd.s32 s10, s0;
	[dreg:$0x19] =	wrdreg s18  }
0x1a: {  	s17 =	sshll.u32 s1, $0x6;
	s21 =	sadd.s32 s10, s20;
	[dreg:$0x9] =	wrdreg s0  }
0x1b: {  	s16 =	sadd.s32 s14, s2;
	s10 =	simm.s32 $0x300;
	[dreg:$0xa] =	wrdreg s21  }
0x1c: {  	s6 =	sor.u32 $0x1C01, s17;
	s7 =	sshrl.u32 s16, $0x3;
	[dreg:$0x14] =	wrdreg s10  }
0x1d: {  	[spmem:s7], [sflag:s6] =	dma.local [hbm:s5], $0x800  }
0x1e: {  	s8 =	sadd.s32 s14, s3;
	s20 =	rddreg [dreg:$0x5]  }
0x1f: {  	[tilespmem:s4], [sflag:$0x1] =	stream.linear.gather [hbm4b:s20+s4], $0x400, $0x38;
	[tilespmem:$0x9000] =	vst v63  }
0x20: {  	s9 =	simm.s32 $0x800;
	s8 =	sshrl.u32 s8, $0x3;
	s21 =	rddreg [dreg:$0x6]  }
0x21: {  	[tilespmem:s9], [sflag:$0x1] =	stream.linear.gather [hbm4b:s21+s4], $0x400, $0x38;
	[tilespmem:$0x9000] =	vst v63  }
0x22: {  	[spmem:s8], [sflag:s6] =	dma.local [hbm:s5], $0x800  }
0x23: {  	s11 =	simm.s32 $0x400;
	s22 =	rddreg [dreg:$0x7]  }
0x24: {  	[tilespmem:s11], [sflag:$0x1] =	stream.linear.gather [hbm4b:s22+s4], $0x400, $0x38;
	[tilespmem:$0x9000] =	vst v63  }
0x25: {  	s12 =	simm.s32 $0xC00;
	s10 =	simm.s32 $0x1;
	s23 =	rddreg [dreg:$0x8]  }
0x26: {  	[tilespmem:s12], [sflag:$0x1] =	stream.linear.gather [hbm4b:s23+s4], $0x400, $0x38;
	[tilespmem:$0x9000] =	vst v63  }
0x27: {  	_ =	swait.ge [sflag:s10], $0x800  }
0x28: {  	[sflag:s10] =	ssyncset.done $0x0  }
0x29: {  	[sflag:s10] =	ssyncadd.s32 $0xFFFFF800  }
0x2a: {  	_ =	swait.ge [sflag:s10], $0x400  }
0x2b: {  	[sflag:s10] =	ssyncset.done $0x0  }
0x2c: {  	[sflag:s10] =	ssyncadd.s32 $0xFFFFFC00  }
0x2d: {  	_ =	swait.ge [sflag:s10], $0x400  }
0x2e: {  	[sflag:s10] =	ssyncset.done $0x0  }
0x2f: {  	[sflag:s10] =	ssyncadd.s32 $0xFFFFFC00  }
0x30: {  	_ =	swait.ge [sflag:s10], $0x800  }
0x31: {  	[sflag:s10] =	ssyncset.done $0x0  }
0x32: {  	[sflag:s10] =	ssyncadd.s32 $0xFFFFF800  }
0x33: {  	_ =	swait.ge [sflag:s10], $0x400  }
0x34: {  	[sflag:s10] =	ssyncset.done $0x0  }
0x35: {  	[sflag:s10] =	ssyncadd.s32 $0xFFFFFC00  }
0x36: {  	_ =	swait.ge [sflag:s10], $0x400  }
0x37: {  	[sflag:s10] =	ssyncset.done $0x0  }
0x38: {  	[sflag:s10] =	ssyncadd.s32 $0xFFFFFC00  }
0x39: {  	s13 =	simm.s32 $0x80;
	s14 =	simm.s32 $0x3;
	[bflag:$0x0] =	sbarrier.arrive $0xFFFF  }
0x3a: {  	[spmem:s2] =	stream.indirect.scatter.add.f32 [tilespmem:s9], [sflag:$0x3], $0x1, s4, s13, $0xb8;
	[tilespmem:$0x9000] =	vst v63  }
0x3b: {  	_ =	swait.ge [sflag:s14], $0x80  }
0x3c: {  	[sflag:s14] =	ssyncset.done $0x0  }
0x3d: {  	s24 =	rddreg [dreg:$0xb];
	[sflag:s14] =	ssyncadd.s32 $0xFFFFFF80  }
0x3e: {  	[spmem:s2] =	stream.indirect.scatter.add.f32 [tilespmem:s24], [sflag:$0x3], $0x1, s13, s13, $0xb8;
	[tilespmem:$0x9000] =	vst v63  }
0x3f: {  	_ =	swait.ge [sflag:s14], $0x80  }
0x40: {  	s25 =	rddreg [dreg:$0xc];
	[sflag:s14] =	ssyncset.done $0x0  }
0x41: {  	s15 =	rddreg [dreg:$0xd];
	[sflag:s14] =	ssyncadd.s32 $0xFFFFFF80  }
0x42: {  	[spmem:s2] =	stream.indirect.scatter.add.f32 [tilespmem:s15], [sflag:$0x3], $0x1, s25, s13, $0xb8;
	[tilespmem:$0x9000] =	vst v63  }
0x43: {  	_ =	swait.ge [sflag:s14], $0x80  }
0x44: {  	s26 =	rddreg [dreg:$0xe];
	[sflag:s14] =	ssyncset.done $0x0  }
0x45: {  	s1 =	rddreg [dreg:$0xf];
	[sflag:s14] =	ssyncadd.s32 $0xFFFFFF80  }
0x46: {  	[spmem:s2] =	stream.indirect.scatter.add.f32 [tilespmem:s1], [sflag:$0x3], $0x1, s26, s13, $0xb8;
	[tilespmem:$0x9000] =	vst v63  }
0x47: {  	_ =	swait.ge [sflag:s14], $0x80  }
0x48: {  	s15 =	rddreg [dreg:$0x10];
	[sflag:s14] =	ssyncset.done $0x0  }
0x49: {  	s16 =	rddreg [dreg:$0x11];
	[sflag:s14] =	ssyncadd.s32 $0xFFFFFF80  }
0x4a: {  	[spmem:s2] =	stream.indirect.scatter.add.f32 [tilespmem:s16], [sflag:$0x3], $0x1, s15, s13, $0xb8;
	[tilespmem:$0x9000] =	vst v63  }
0x4b: {  	_ =	swait.ge [sflag:s14], $0x80  }
0x4c: {  	s18 =	rddreg [dreg:$0x12];
	[sflag:s14] =	ssyncset.done $0x0  }
0x4d: {  	s19 =	rddreg [dreg:$0x13];
	[sflag:s14] =	ssyncadd.s32 $0xFFFFFF80  }
0x4e: {  	[spmem:s2] =	stream.indirect.scatter.add.f32 [tilespmem:s19], [sflag:$0x3], $0x1, s18, s13, $0xb8;
	[tilespmem:$0x9000] =	vst v63  }
0x4f: {  	_ =	swait.ge [sflag:s14], $0x80  }
0x50: {  	s20 =	rddreg [dreg:$0x14];
	[sflag:s14] =	ssyncset.done $0x0  }
0x51: {  	s21 =	rddreg [dreg:$0x15];
	[sflag:s14] =	ssyncadd.s32 $0xFFFFFF80  }
0x52: {  	[spmem:s2] =	stream.indirect.scatter.add.f32 [tilespmem:s21], [sflag:$0x3], $0x1, s20, s13, $0xb8;
	[tilespmem:$0x9000] =	vst v63  }
0x53: {  	_ =	swait.ge [sflag:s14], $0x80  }
0x54: {  	s22 =	rddreg [dreg:$0x16];
	[sflag:s14] =	ssyncset.done $0x0  }
0x55: {  	s23 =	rddreg [dreg:$0x17];
	[sflag:s14] =	ssyncadd.s32 $0xFFFFFF80  }
0x56: {  	[spmem:s2] =	stream.indirect.scatter.add.f32 [tilespmem:s23], [sflag:$0x3], $0x1, s22, s13, $0xb8;
	[tilespmem:$0x9000] =	vst v63  }
0x57: {  	_ =	swait.ge [sflag:s14], $0x80  }
0x58: {  	[sflag:s14] =	ssyncset.done $0x0  }
0x59: {  	[sflag:s14] =	ssyncadd.s32 $0xFFFFFF80  }
0x5a: {  	s17 =	sor.u32 $0x1C02, s17;
	[bflag:$0x0] =	sbarrier.arrive $0xFFFF  }
0x5b: {  	s15 =	simm.s32 $0x40;
	s16 =	simm.s32 $0x10;
	s24 =	rddreg [dreg:$0x9]  }
0x5c: {  	[hbm:s24@s15], [sflag:s17] =	dma.strided [spmem:s7@s16], $0x800, s10, $0x10   }
0x5d: {  	[spmem:s3] =	stream.indirect.scatter.add.f32 [tilespmem:s12], [sflag:$0x3], $0x1, s11, s13, $0xb8;
	[tilespmem:$0x9000] =	vst v63  }
0x5e: {  	_ =	swait.ge [sflag:s14], $0x80  }
0x5f: {  	s25 =	rddreg [dreg:$0x18];
	[sflag:s14] =	ssyncset.done $0x0  }
0x60: {  	s18 =	rddreg [dreg:$0x19];
	[sflag:s14] =	ssyncadd.s32 $0xFFFFFF80  }
0x61: {  	[spmem:s3] =	stream.indirect.scatter.add.f32 [tilespmem:s18], [sflag:$0x3], $0x1, s25, s13, $0xb8;
	[tilespmem:$0x9000] =	vst v63  }
0x62: {  	_ =	swait.ge [sflag:s14], $0x80  }
0x63: {  	[sflag:s14] =	ssyncset.done $0x0  }
0x64: {  	s18 =	simm.s32 $0xD00;
	s26 =	rddreg [dreg:$0x1a];
	[sflag:s14] =	ssyncadd.s32 $0xFFFFFF80  }
0x65: {  	[spmem:s3] =	stream.indirect.scatter.add.f32 [tilespmem:s18], [sflag:$0x3], $0x1, s26, s13, $0xb8;
	[tilespmem:$0x9000] =	vst v63  }
0x66: {  	_ =	swait.ge [sflag:s14], $0x80  }
0x67: {  	[sflag:s14] =	ssyncset.done $0x0  }
0x68: {  	s19 =	simm.s32 $0x580;
	s20 =	simm.s32 $0xD80;
	[sflag:s14] =	ssyncadd.s32 $0xFFFFFF80  }
0x69: {  	[spmem:s3] =	stream.indirect.scatter.add.f32 [tilespmem:s20], [sflag:$0x3], $0x1, s19, s13, $0xb8;
	[tilespmem:$0x9000] =	vst v63  }
0x6a: {  	_ =	swait.ge [sflag:s14], $0x80  }
0x6b: {  	[sflag:s14] =	ssyncset.done $0x0  }
0x6c: {  	s21 =	simm.s32 $0x600;
	s22 =	simm.s32 $0xE00;
	[sflag:s14] =	ssyncadd.s32 $0xFFFFFF80  }
0x6d: {  	[spmem:s3] =	stream.indirect.scatter.add.f32 [tilespmem:s22], [sflag:$0x3], $0x1, s21, s13, $0xb8;
	[tilespmem:$0x9000] =	vst v63  }
0x6e: {  	_ =	swait.ge [sflag:s14], $0x80  }
0x6f: {  	[sflag:s14] =	ssyncset.done $0x0  }
0x70: {  	s23 =	simm.s32 $0x680;
	s24 =	simm.s32 $0xE80;
	[sflag:s14] =	ssyncadd.s32 $0xFFFFFF80  }
0x71: {  	[spmem:s3] =	stream.indirect.scatter.add.f32 [tilespmem:s24], [sflag:$0x3], $0x1, s23, s13, $0xb8;
	[tilespmem:$0x9000] =	vst v63  }
0x72: {  	s1 =	ssub.s32 $0x2, s28;
	_ =	swait.ge [sflag:s14], $0x80  }
0x73: {  	s30 =	sshrl.u32 s1, $0x1;
	[sflag:s14] =	ssyncset.done $0x0  }
0x74: {  	s25 =	simm.s32 $0x700;
	s26 =	simm.s32 $0xF00;
	[sflag:s14] =	ssyncadd.s32 $0xFFFFFF80  }
0x75: {  	[spmem:s3] =	stream.indirect.scatter.add.f32 [tilespmem:s26], [sflag:$0x3], $0x1, s25, s13, $0xb8;
	[tilespmem:$0x9000] =	vst v63  }
0x76: {  	s0 =	ssub.s32 s1, s30;
	_ =	swait.ge [sflag:s14], $0x80  }
0x77: {  	s29 =	simm.s32 $0xF80;
	s0 =	smax.u32 s0, $0x1;
	[sflag:s14] =	ssyncset.done $0x0  }
0x78: {  	s28 =	simm.s32 $0x780;
	p0 =	sne.s32 s0, $0x1;
	[sflag:s14] =	ssyncadd.s32 $0xFFFFFF80  }
0x79: {  	[spmem:s3] =	stream.indirect.scatter.add.f32 [tilespmem:s29], [sflag:$0x3], $0x1, s28, s13, $0xb8;
	[tilespmem:$0x9000] =	vst v63  }
.Ltmp0:
0x7a: {  	_ =	swait.ge [sflag:s14], $0x80;
	(pc) =	sbr.rel @!p0 .LBB2_2-.Ltmp0, $4  }
0x7b: {  	[sflag:s14] =	ssyncset.done $0x0  }
0x7c: {  	[sflag:s14] =	ssyncadd.s32 $0xFFFFFF80  }
0x7d: {  	[bflag:$0x0] =	sbarrier.arrive $0xFFFF  }
0x7e: {  	s30 =	simm.s32 $0x2;
	s31 =	sadd.s32 $0xFFFFFFFF, s0;
	s0 =	rddreg [dreg:$0xa]  }
.LBB2_1:
0x7f: {  	[hbm:s0@s15], [sflag:s17] =	dma.strided [spmem:s8@s16], $0x800, s10, $0x10   }
0x80: {  	_ =	swait.ge [sflag:s30], $0x800  }
0x81: {  	[sflag:s30] =	ssyncset.done $0x0  }
0x82: {  	[sflag:s30] =	ssyncadd.s32 $0xFFFFF800  }
0x83: {  	_ =	swait.ge [sflag:s30], $0x800  }
0x84: {  	[sflag:s30] =	ssyncset.done $0x0  }
0x85: {  	[sflag:s30] =	ssyncadd.s32 $0xFFFFF800  }
0x86: {  	[spmem:s7], [sflag:s6] =	dma.local [hbm:s5], $0x800  }
0x87: {  	s0 =	rddreg [dreg:$0x5]  }
0x88: {  	[tilespmem:s4], [sflag:$0x1] =	stream.linear.gather [hbm4b:s0+s4], $0x400, $0x38;
	[tilespmem:$0x9000] =	vst v63  }
0x89: {  	s1 =	rddreg [dreg:$0x6]  }
0x8a: {  	[tilespmem:s9], [sflag:$0x1] =	stream.linear.gather [hbm4b:s1+s4], $0x400, $0x38;
	[tilespmem:$0x9000] =	vst v63  }
0x8b: {  	[spmem:s8], [sflag:s6] =	dma.local [hbm:s5], $0x800  }
0x8c: {  	s0 =	rddreg [dreg:$0x7]  }
0x8d: {  	[tilespmem:s11], [sflag:$0x1] =	stream.linear.gather [hbm4b:s0+s4], $0x400, $0x38;
	[tilespmem:$0x9000] =	vst v63  }
0x8e: {  	s1 =	rddreg [dreg:$0x8]  }
0x8f: {  	[tilespmem:s12], [sflag:$0x1] =	stream.linear.gather [hbm4b:s1+s4], $0x400, $0x38;
	[tilespmem:$0x9000] =	vst v63  }
0x90: {  	_ =	swait.ge [sflag:s10], $0x800  }
0x91: {  	[sflag:s10] =	ssyncset.done $0x0  }
0x92: {  	[sflag:s10] =	ssyncadd.s32 $0xFFFFF800  }
0x93: {  	_ =	swait.ge [sflag:s10], $0x400  }
0x94: {  	[sflag:s10] =	ssyncset.done $0x0  }
0x95: {  	[sflag:s10] =	ssyncadd.s32 $0xFFFFFC00  }
0x96: {  	_ =	swait.ge [sflag:s10], $0x400  }
0x97: {  	[sflag:s10] =	ssyncset.done $0x0  }
0x98: {  	[sflag:s10] =	ssyncadd.s32 $0xFFFFFC00  }
0x99: {  	_ =	swait.ge [sflag:s10], $0x800  }
0x9a: {  	[sflag:s10] =	ssyncset.done $0x0  }
0x9b: {  	[sflag:s10] =	ssyncadd.s32 $0xFFFFF800  }
0x9c: {  	_ =	swait.ge [sflag:s10], $0x400  }
0x9d: {  	[sflag:s10] =	ssyncset.done $0x0  }
0x9e: {  	[sflag:s10] =	ssyncadd.s32 $0xFFFFFC00  }
0x9f: {  	_ =	swait.ge [sflag:s10], $0x400  }
0xa0: {  	[sflag:s10] =	ssyncset.done $0x0  }
0xa1: {  	[sflag:s10] =	ssyncadd.s32 $0xFFFFFC00  }
0xa2: {  	[bflag:$0x0] =	sbarrier.arrive $0xFFFF  }
0xa3: {  	[spmem:s2] =	stream.indirect.scatter.add.f32 [tilespmem:s9], [sflag:$0x3], $0x1, s4, s13, $0xb8;
	[tilespmem:$0x9000] =	vst v63  }
0xa4: {  	_ =	swait.ge [sflag:s14], $0x80  }
0xa5: {  	[sflag:s14] =	ssyncset.done $0x0  }
0xa6: {  	s1 =	rddreg [dreg:$0xb];
	[sflag:s14] =	ssyncadd.s32 $0xFFFFFF80  }
0xa7: {  	[spmem:s2] =	stream.indirect.scatter.add.f32 [tilespmem:s1], [sflag:$0x3], $0x1, s13, s13, $0xb8;
	[tilespmem:$0x9000] =	vst v63  }
0xa8: {  	_ =	swait.ge [sflag:s14], $0x80  }
0xa9: {  	s0 =	rddreg [dreg:$0xc];
	[sflag:s14] =	ssyncset.done $0x0  }
0xaa: {  	s1 =	rddreg [dreg:$0xd];
	[sflag:s14] =	ssyncadd.s32 $0xFFFFFF80  }
0xab: {  	[spmem:s2] =	stream.indirect.scatter.add.f32 [tilespmem:s1], [sflag:$0x3], $0x1, s0, s13, $0xb8;
	[tilespmem:$0x9000] =	vst v63  }
0xac: {  	_ =	swait.ge [sflag:s14], $0x80  }
0xad: {  	[sflag:s14] =	ssyncset.done $0x0;
	s0 =	rddreg [dreg:$0xe]  }
0xae: {  	s1 =	rddreg [dreg:$0xf];
	[sflag:s14] =	ssyncadd.s32 $0xFFFFFF80  }
0xaf: {  	[spmem:s2] =	stream.indirect.scatter.add.f32 [tilespmem:s1], [sflag:$0x3], $0x1, s0, s13, $0xb8;
	[tilespmem:$0x9000] =	vst v63  }
0xb0: {  	_ =	swait.ge [sflag:s14], $0x80  }
0xb1: {  	[sflag:s14] =	ssyncset.done $0x0;
	s0 =	rddreg [dreg:$0x10]  }
0xb2: {  	s1 =	rddreg [dreg:$0x11];
	[sflag:s14] =	ssyncadd.s32 $0xFFFFFF80  }
0xb3: {  	[spmem:s2] =	stream.indirect.scatter.add.f32 [tilespmem:s1], [sflag:$0x3], $0x1, s0, s13, $0xb8;
	[tilespmem:$0x9000] =	vst v63  }
0xb4: {  	_ =	swait.ge [sflag:s14], $0x80  }
0xb5: {  	[sflag:s14] =	ssyncset.done $0x0;
	s0 =	rddreg [dreg:$0x12]  }
0xb6: {  	s1 =	rddreg [dreg:$0x13];
	[sflag:s14] =	ssyncadd.s32 $0xFFFFFF80  }
0xb7: {  	[spmem:s2] =	stream.indirect.scatter.add.f32 [tilespmem:s1], [sflag:$0x3], $0x1, s0, s13, $0xb8;
	[tilespmem:$0x9000] =	vst v63  }
0xb8: {  	_ =	swait.ge [sflag:s14], $0x80  }
0xb9: {  	[sflag:s14] =	ssyncset.done $0x0;
	s0 =	rddreg [dreg:$0x14]  }
0xba: {  	s1 =	rddreg [dreg:$0x15];
	[sflag:s14] =	ssyncadd.s32 $0xFFFFFF80  }
0xbb: {  	[spmem:s2] =	stream.indirect.scatter.add.f32 [tilespmem:s1], [sflag:$0x3], $0x1, s0, s13, $0xb8;
	[tilespmem:$0x9000] =	vst v63  }
0xbc: {  	_ =	swait.ge [sflag:s14], $0x80  }
0xbd: {  	[sflag:s14] =	ssyncset.done $0x0;
	s0 =	rddreg [dreg:$0x16]  }
0xbe: {  	s1 =	rddreg [dreg:$0x17];
	[sflag:s14] =	ssyncadd.s32 $0xFFFFFF80  }
0xbf: {  	[spmem:s2] =	stream.indirect.scatter.add.f32 [tilespmem:s1], [sflag:$0x3], $0x1, s0, s13, $0xb8;
	[tilespmem:$0x9000] =	vst v63  }
0xc0: {  	_ =	swait.ge [sflag:s14], $0x80  }
0xc1: {  	[sflag:s14] =	ssyncset.done $0x0  }
0xc2: {  	[sflag:s14] =	ssyncadd.s32 $0xFFFFFF80  }
0xc3: {  	[bflag:$0x0] =	sbarrier.arrive $0xFFFF  }
0xc4: {  	s1 =	rddreg [dreg:$0x9]  }
0xc5: {  	[hbm:s1@s15], [sflag:s17] =	dma.strided [spmem:s7@s16], $0x800, s10, $0x10   }
0xc6: {  	[spmem:s3] =	stream.indirect.scatter.add.f32 [tilespmem:s12], [sflag:$0x3], $0x1, s11, s13, $0xb8;
	[tilespmem:$0x9000] =	vst v63  }
0xc7: {  	_ =	swait.ge [sflag:s14], $0x80  }
0xc8: {  	[sflag:s14] =	ssyncset.done $0x0;
	s0 =	rddreg [dreg:$0x18]  }
0xc9: {  	s1 =	rddreg [dreg:$0x19];
	[sflag:s14] =	ssyncadd.s32 $0xFFFFFF80  }
0xca: {  	[spmem:s3] =	stream.indirect.scatter.add.f32 [tilespmem:s1], [sflag:$0x3], $0x1, s0, s13, $0xb8;
	[tilespmem:$0x9000] =	vst v63  }
0xcb: {  	_ =	swait.ge [sflag:s14], $0x80  }
0xcc: {  	[sflag:s14] =	ssyncset.done $0x0  }
0xcd: {  	s1 =	rddreg [dreg:$0x1a];
	[sflag:s14] =	ssyncadd.s32 $0xFFFFFF80  }
0xce: {  	[spmem:s3] =	stream.indirect.scatter.add.f32 [tilespmem:s18], [sflag:$0x3], $0x1, s1, s13, $0xb8;
	[tilespmem:$0x9000] =	vst v63  }
0xcf: {  	_ =	swait.ge [sflag:s14], $0x80  }
0xd0: {  	[sflag:s14] =	ssyncset.done $0x0  }
0xd1: {  	[sflag:s14] =	ssyncadd.s32 $0xFFFFFF80  }
0xd2: {  	[spmem:s3] =	stream.indirect.scatter.add.f32 [tilespmem:s20], [sflag:$0x3], $0x1, s19, s13, $0xb8;
	[tilespmem:$0x9000] =	vst v63  }
0xd3: {  	_ =	swait.ge [sflag:s14], $0x80  }
0xd4: {  	[sflag:s14] =	ssyncset.done $0x0  }
0xd5: {  	[sflag:s14] =	ssyncadd.s32 $0xFFFFFF80  }
0xd6: {  	[spmem:s3] =	stream.indirect.scatter.add.f32 [tilespmem:s22], [sflag:$0x3], $0x1, s21, s13, $0xb8;
	[tilespmem:$0x9000] =	vst v63  }
0xd7: {  	_ =	swait.ge [sflag:s14], $0x80  }
0xd8: {  	[sflag:s14] =	ssyncset.done $0x0  }
0xd9: {  	[sflag:s14] =	ssyncadd.s32 $0xFFFFFF80  }
0xda: {  	[spmem:s3] =	stream.indirect.scatter.add.f32 [tilespmem:s24], [sflag:$0x3], $0x1, s23, s13, $0xb8;
	[tilespmem:$0x9000] =	vst v63  }
0xdb: {  	_ =	swait.ge [sflag:s14], $0x80  }
0xdc: {  	[sflag:s14] =	ssyncset.done $0x0  }
0xdd: {  	[sflag:s14] =	ssyncadd.s32 $0xFFFFFF80  }
0xde: {  	[spmem:s3] =	stream.indirect.scatter.add.f32 [tilespmem:s26], [sflag:$0x3], $0x1, s25, s13, $0xb8;
	[tilespmem:$0x9000] =	vst v63  }
0xdf: {  	_ =	swait.ge [sflag:s14], $0x80  }
0xe0: {  	[sflag:s14] =	ssyncset.done $0x0  }
0xe1: {  	p0 =	sne.s32 s31, $0x1;
	[sflag:s14] =	ssyncadd.s32 $0xFFFFFF80  }
0xe2: {  	[spmem:s3] =	stream.indirect.scatter.add.f32 [tilespmem:s29], [sflag:$0x3], $0x1, s28, s13, $0xb8;
	[tilespmem:$0x9000] =	vst v63  }
.Ltmp1:
0xe3: {  	_ =	swait.ge [sflag:s14], $0x80;
	(pc) =	sbr.rel @p0 .LBB2_1-.Ltmp1, $4  }
0xe4: {  	[sflag:s14] =	ssyncset.done $0x0  }
0xe5: {  	[sflag:s14] =	ssyncadd.s32 $0xFFFFFF80  }
0xe6: {  	[bflag:$0x0] =	sbarrier.arrive $0xFFFF  }
0xe7: {  	s31 =	sadd.s32 $0xFFFFFFFF, s31;
	s0 =	rddreg [dreg:$0xa]  }
.LBB2_2:
0xe8: {  	[hbm:s0@s15], [sflag:s17] =	dma.strided [spmem:s8@s16], $0x800, s10, $0x10   }
0xe9: {  	_ =	swait.ge [sflag:s30], $0x800  }
0xea: {  	[sflag:s30] =	ssyncset.done $0x0  }
0xeb: {  	[sflag:s30] =	ssyncadd.s32 $0xFFFFF800  }
0xec: {  	_ =	swait.ge [sflag:s30], $0x800  }
0xed: {  	[sflag:s30] =	ssyncset.done $0x0  }
0xee: {  	[sflag:s30] =	ssyncadd.s32 $0xFFFFF800  }
0xef: {  	_ =	sfence.sel $0x180000  }
0xf0: {  	[bflag:$0x0] =	sbarrier.arrive $0xFFFF  }
0xf1: {  	_ =	strace $0x90000047  }
0xf2: {  	s31 =	stileid.u32;
	[bflag:$0x2] =	sbarrier.arrive $0xFFFF  }
0xf3: {  	p0 =	sne.s32 s31, $0x0;
	s0 =	rddreg [dreg:$0x4]  }
0xf4: {  	s0 =	sadd.s32 @!p0 $0x100000, s0  }
0xf5: {  	[sflag:s0] =	ssyncadd.tile.s32 @!p0 $0x1;
	_ =	shalt  }
.Lfunc_end2:
_tile_overlayer_lowered:
.L_overlay_start_2:
0xf6: {  	(tag) =	ssettag $0x2  }
0xf7: {  	s0 =	rddreg [dreg:$0x0];
	s2 =	stileid.u32  }
0xf8: {  	s1 =	rddreg [dreg:$0x1];
	p0 =	sne.s32 s2, $0x0  }
0xf9: {  	s3 =	rddreg [dreg:$0x2];
	[bflag:$0x3] =	sbarrier.arrive $0xFFFF;
	s2 =	simm.s32 @!p0 $0x1C03  }
0xfa: {  	[timem:s3], [sflag:s2] =	dma.local @!p0 [hbm:s0], s1  }
0xfb: {  	s0 =	simm.s32 @!p0 $0x3  }
0xfc: {  	_ =	swait.ge @!p0 [sflag:s0], s1  }
0xfd: {  	s1 =	ssub.s32 @!p0 $0x0, s1;
	[sflag:s0] =	ssyncset.done @!p0 $0x0  }
0xfe: {  	[sflag:s0] =	ssyncadd.s32 @!p0 s1  }
0xff: {  	[bflag:$0x3] =	sbarrier.arrive $0xFFFF  }
0x100: {  	_ =	shalt  }

</sc_bundles>
